<compile_context>
chip_gen: v7x
topology: tpu7x:2x2x1
jax: 0.10.2.dev20260603
libtpu: 0.0.44.dev20260713+nightly
codegen_flags: <defaults>
</compile_context>

<pallas_src>
import functools

import jax
import jax.numpy as jnp
from jax import lax
from jax.experimental import pallas as pl
from jax.experimental.pallas import tpu as pltpu
from jax.experimental.pallas import tpu_sc as plsc

NC = 2
NS = 16
KC = 64
GC = 8


def _sc_segment_sums(x2, src4, gidx4, smod4, sdiv4, pat16, zrows, n_nodes,
                     d_half, ng, acc_rows, rpt, cnt_rows):
    mesh = plsc.VectorSubcoreMesh(
        core_axis_name="c", subcore_axis_name="s",
        num_cores=NC, num_subcores=NS)
    n_full = rpt // KC
    n_rem = rpt - n_full * KC
    last_rows = n_nodes - (NS - 1) * rpt
    crpt = cnt_rows // NS

    @functools.partial(
        pl.kernel,
        out_type=(
            jax.ShapeDtypeStruct((NC, n_nodes, d_half), jnp.float32),
            jax.ShapeDtypeStruct((NC, cnt_rows, 128), jnp.float32),
        ),
        mesh=mesh,
        scratch_types=[
            pltpu.VMEM_SHARED((acc_rows, d_half), jnp.float32),
            pltpu.VMEM_SHARED((cnt_rows, 128), jnp.float32),
            pltpu.VMEM((GC, KC), jnp.int32),
            pltpu.VMEM((GC, KC), jnp.int32),
            pltpu.VMEM((GC, KC), jnp.int32),
            pltpu.VMEM((GC, KC), jnp.int32),
            pltpu.VMEM((KC, d_half), jnp.float32),
            pltpu.VMEM((KC, d_half), jnp.float32),
            pltpu.VMEM((KC, 128), jnp.float32),
            pltpu.VMEM((KC, 128), jnp.float32),
            pltpu.SemaphoreType.DMA,
            pltpu.SemaphoreType.DMA,
            pltpu.SemaphoreType.DMA,
            pltpu.SemaphoreType.DMA,
            pltpu.SemaphoreType.DMA,
            pltpu.SemaphoreType.DMA,
            pltpu.SemaphoreType.DMA,
            pltpu.SemaphoreType.DMA,
            pltpu.SemaphoreType.DMA,
        ],
    )
    def agg(x2_hbm, src_hbm, gidx_hbm, smod_hbm, sdiv_hbm, pat16_hbm,
            zrows_hbm, sums_hbm, cnt_hbm,
            acc, cnt8, srcg, gidxg, modg, divg, rows_a, rows_b, crows_a,
            crows_b, gsem_a, gsem_b, ssem_a, ssem_b, cgsem_a, cgsem_b,
            cssem_a, cssem_b, isem):
        c = lax.axis_index("c")
        s = lax.axis_index("s")

        pltpu.sync_copy(zrows_hbm, rows_a)

        r0 = s * rpt
        zd = []
        for j in range(n_full):
            zd.append(pltpu.async_copy(
                rows_a, acc.at[pl.ds(r0 + j * KC, KC)], isem))
        if n_rem:
            zd.append(pltpu.async_copy(
                rows_a.at[pl.ds(0, n_rem)],
                acc.at[pl.ds(r0 + n_full * KC, n_rem)], isem))
        c0 = s * crpt
        for j in range(0, crpt, KC):
            w = min(KC, crpt - j)
            zd.append(pltpu.async_copy(
                rows_a.at[pl.ds(0, w)], cnt8.at[pl.ds(c0 + j, w)], isem))
        for dsc in zd:
            dsc.wait()
        plsc.subcore_barrier()

        w_id = c * NS + s

        bufs = (rows_a, rows_b)
        gsems = (gsem_a, gsem_b)
        ssems = (ssem_a, ssem_b)
        cbufs = (crows_a, crows_b)
        cgsems = (cgsem_a, cgsem_b)
        cssems = (cssem_a, cssem_b)

        def emit_group(duty):
            gd = [None] * GC
            sd = [None] * GC
            cgd = [None] * GC
            csd = [None] * GC
            gd[0] = pltpu.async_copy(x2_hbm.at[gidxg.at[0]], rows_a, gsem_a)
            if duty:
                cgd[0] = pltpu.async_copy(
                    pat16_hbm.at[modg.at[0]], crows_a, cgsem_a)
            for j in range(GC):
                gd[j].wait()
                sd[j] = pltpu.async_copy(
                    bufs[j % 2], acc.at[srcg.at[j]], ssems[j % 2], add=True)
                if j + 1 < GC:
                    if j >= 1:
                        sd[j - 1].wait()
                    gd[j + 1] = pltpu.async_copy(
                        x2_hbm.at[gidxg.at[j + 1]], bufs[(j + 1) % 2],
                        gsems[(j + 1) % 2])
                if duty:
                    cgd[j].wait()
                    csd[j] = pltpu.async_copy(
                        cbufs[j % 2], cnt8.at[divg.at[j]], cssems[j % 2],
                        add=True)
                    if j + 1 < GC:
                        if j >= 1:
                            csd[j - 1].wait()
                        cgd[j + 1] = pltpu.async_copy(
                            pat16_hbm.at[modg.at[j + 1]],
                            cbufs[(j + 1) % 2], cgsems[(j + 1) % 2])
            sd[GC - 2].wait()
            sd[GC - 1].wait()
            if duty:
                csd[GC - 2].wait()
                csd[GC - 1].wait()

        @pl.loop(0, ng)
        def _group(g):
            i1 = pltpu.async_copy(src_hbm.at[s, g], srcg, isem)
            i2 = pltpu.async_copy(gidx_hbm.at[w_id, g], gidxg, isem)
            i3 = pltpu.async_copy(smod_hbm.at[s, g], modg, isem)
            i4 = pltpu.async_copy(sdiv_hbm.at[s, g], divg, isem)
            i1.wait()
            i2.wait()
            i3.wait()
            i4.wait()

            @pl.when((g & 1) == c)
            def _():
                emit_group(True)

            @pl.when((g & 1) != c)
            def _():
                emit_group(False)

        plsc.subcore_barrier()

        @pl.when(s < NS - 1)
        def _():
            pltpu.sync_copy(acc.at[pl.ds(r0, rpt)],
                            sums_hbm.at[c, pl.ds(r0, rpt)])

        @pl.when(s == NS - 1)
        def _():
            pltpu.sync_copy(acc.at[pl.ds(r0, last_rows)],
                            sums_hbm.at[c, pl.ds(r0, last_rows)])

        pltpu.sync_copy(cnt8.at[pl.ds(c0, crpt)],
                        cnt_hbm.at[c, pl.ds(c0, crpt)])

    return agg(x2, src4, gidx4, smod4, sdiv4, pat16, zrows)


def _tc_self_body(x_ref, wst_ref, bs_ref, z_ref):
    z_ref[...] = jnp.dot(x_ref[...], wst_ref[...],
                         preferred_element_type=jnp.float32) + bs_ref[...]


def _tc_final_body(z_ref, s_ref, c_ref, wnt_ref, bn_ref, o_ref):
    cnt = c_ref[:, 0:1]
    inv = 1.0 / jnp.maximum(cnt, 1.0)
    d_half = s_ref.shape[2]
    m0 = s_ref[0] * inv
    m1 = s_ref[1] * inv
    nb = jnp.dot(m0, wnt_ref[0:d_half, :], preferred_element_type=jnp.float32)
    nb = nb + jnp.dot(m1, wnt_ref[d_half:, :], preferred_element_type=jnp.float32)
    nb = jnp.where(cnt > 0.0, nb + bn_ref[...], 0.0)
    o_ref[...] = jnp.maximum(z_ref[...] + nb, 0.0)


def kernel(x, edge_index, W_self, b_self, W_neighbor, b_neighbor):
    n, d = x.shape
    e = edge_index.shape[1]
    d_half = d // 2
    src = edge_index[0]
    dst = edge_index[1]

    ng = -(-e // (NS * KC * GC))
    e_pad = NS * ng * GC * KC
    pad = e_pad - e
    src_p = jnp.concatenate([src, jnp.full((pad,), n, jnp.int32)])
    dst_p = jnp.concatenate([dst, jnp.zeros((pad,), jnp.int32)])
    src4 = src_p.reshape(NS, ng, GC, KC)
    g = dst_p * 2
    gidx4 = jnp.stack([g, g + 1]).reshape(NC * NS, ng, GC, KC)
    x2 = x.reshape(n * 2, d_half)

    rpt = 8 * (-(-(n + 1) // (NS * 8)))
    acc_rows = NS * rpt
    cnt_rows = 1280
    n_slots = -(-(n + 1) // cnt_rows)
    zrows = jnp.zeros((KC, 128), jnp.float32)
    slot = src_p // cnt_rows
    smod4 = (slot | ((src_p & 7) << 3)).reshape(NS, ng, GC, KC)
    sdiv4 = (src_p % cnt_rows).reshape(NS, ng, GC, KC)
    pat16 = jnp.zeros((64, 128), jnp.float32).at[
        jnp.arange(64), (jnp.arange(64) & 7) * 8].set(1.0)
    bm = 1000
    z = pl.pallas_call(
        _tc_self_body,
        grid=(n // bm,),
        in_specs=[
            pl.BlockSpec((bm, d), lambda i: (i, 0)),
            pl.BlockSpec((d, d), lambda i: (0, 0)),
            pl.BlockSpec((1, d), lambda i: (0, 0)),
        ],
        out_specs=pl.BlockSpec((bm, d), lambda i: (i, 0)),
        out_shape=jax.ShapeDtypeStruct((n, d), jnp.float32),
    )(x, W_self.T, b_self.reshape(1, d))

    sums, cnt2 = _sc_segment_sums(x2, src4, gidx4, smod4, sdiv4, pat16,
                                  zrows, n, d_half, ng, acc_rows, rpt,
                                  cnt_rows)
    r3 = (cnt2[0] + cnt2[1]).reshape(cnt_rows, 16, 8)
    cnt8 = jnp.transpose(r3[:, :n_slots, :], (1, 0, 2)).reshape(
        n_slots * cnt_rows, 8)[:n]

    out = pl.pallas_call(
        _tc_final_body,
        grid=(n // bm,),
        in_specs=[
            pl.BlockSpec((bm, d), lambda i: (i, 0)),
            pl.BlockSpec((2, bm, d_half), lambda i: (0, i, 0)),
            pl.BlockSpec((bm, 8), lambda i: (i, 0)),
            pl.BlockSpec((d, d), lambda i: (0, 0)),
            pl.BlockSpec((1, d), lambda i: (0, 0)),
        ],
        out_specs=pl.BlockSpec((bm, d), lambda i: (i, 0)),
        out_shape=jax.ShapeDtypeStruct((n, d), jnp.float32),
    )(z, sums, cnt8, W_neighbor.T, b_neighbor.reshape(1, d))
    return out

# --- scband reference (transcript-rebuilt; emitter-appended) ---
"""Pipeline reference for scband-custom-graph-conv-layer-81252191306416 (READ-ONLY COPY).

The authoritative reference and input builder live on the scoring server;
editing this copy changes nothing except your own understanding.
"""

import jax, jax.numpy as jnp
import numpy as np

N_NODES = 10000
N_EDGES = 160000
D_IN = 256
D_OUT = 256


def setup_inputs(seed: int = 0) -> dict:
    key = jax.random.key(seed)
    k1, k2, k3, k4, k5, k6 = jax.random.split(key, 6)
    x = jax.random.normal(k1, (N_NODES, D_IN), dtype=jnp.float32)
    edge_index = jax.random.randint(k2, (2, N_EDGES), 0, N_NODES, dtype=jnp.int32)
    # nn.Linear params: weight [out, in], bias [out]
    bound = 1.0 / np.sqrt(D_IN)
    W_self = jax.random.uniform(k3, (D_OUT, D_IN), dtype=jnp.float32, minval=-bound, maxval=bound)
    b_self = jax.random.uniform(k4, (D_OUT,), dtype=jnp.float32, minval=-bound, maxval=bound)
    W_neighbor = jax.random.uniform(k5, (D_OUT, D_IN), dtype=jnp.float32, minval=-bound, maxval=bound)
    b_neighbor = jax.random.uniform(k6, (D_OUT,), dtype=jnp.float32, minval=-bound, maxval=bound)
    return {"x": x, "edge_index": edge_index, "W_self": W_self, "b_self": b_self,
            "W_neighbor": W_neighbor, "b_neighbor": b_neighbor}


def reference(x, edge_index, W_self, b_self, W_neighbor, b_neighbor):
    num_nodes = x.shape[0]
    # self path
    x_self = x @ W_self.T + b_self
    # neighbor path: for each node i, mean of x[edge_index[1][edge_index[0]==i]]
    src = edge_index[0]
    dst = edge_index[1]
    gathered = jnp.take(x, dst, axis=0)                                  # [E, D_IN]
    sums = jax.ops.segment_sum(gathered, src, num_segments=num_nodes)    # [N, D_IN]
    counts = jax.ops.segment_sum(jnp.ones((src.shape[0],), dtype=x.dtype), src,
                                 num_segments=num_nodes)                 # [N]
    mean = sums / jnp.maximum(counts, 1.0)[:, None]
    neigh = mean @ W_neighbor.T + b_neighbor
    # Nodes with no neighbors keep zeros (bias NOT applied there, matching the torch loop)
    has_neighbors = (counts > 0)[:, None]
    x_neighbor = jnp.where(has_neighbors, neigh, jnp.zeros_like(neigh))
    out = jax.nn.relu(x_self + x_neighbor)
    return out

if __name__ == "__main__":
    import jax
    _d = setup_inputs()
    print(jax.jit(kernel)(*tuple(_d.values())))

</pallas_src>

<mosaic_0001>
#map = affine_map<(d0, d1) -> (0, 0)>
#map1 = affine_map<(d0, d1) -> (0, 0, 0, 0)>
#map2 = affine_map<(d0, d1) -> (0, 0, 0)>
module attributes {stable_mosaic.version = 14 : i64} {
  func.func @agg(%arg0: i32, %arg1: i32, %arg2: memref<20000x128xf32, #tpu.memory_space<hbm>>, %arg3: memref<16x20x8x64xi32, #tpu.memory_space<hbm>>, %arg4: memref<32x20x8x64xi32, #tpu.memory_space<hbm>>, %arg5: memref<16x20x8x64xi32, #tpu.memory_space<hbm>>, %arg6: memref<16x20x8x64xi32, #tpu.memory_space<hbm>>, %arg7: memref<64x128xf32, #tpu.memory_space<hbm>>, %arg8: memref<64x128xf32, #tpu.memory_space<hbm>>, %arg9: memref<2x10000x128xf32, #tpu.memory_space<hbm>>, %arg10: memref<2x1280x128xf32, #tpu.memory_space<hbm>>, %arg11: memref<10112x128xf32, #tpu.memory_space<vmem_shared>>, %arg12: memref<1280x128xf32, #tpu.memory_space<vmem_shared>>, %arg13: memref<8x64xi32, #tpu.memory_space<vmem>>, %arg14: memref<8x64xi32, #tpu.memory_space<vmem>>, %arg15: memref<8x64xi32, #tpu.memory_space<vmem>>, %arg16: memref<8x64xi32, #tpu.memory_space<vmem>>, %arg17: memref<64x128xf32, #tpu.memory_space<vmem>>, %arg18: memref<64x128xf32, #tpu.memory_space<vmem>>, %arg19: memref<64x128xf32, #tpu.memory_space<vmem>>, %arg20: memref<64x128xf32, #tpu.memory_space<vmem>>, %arg21: memref<!tpu.dma_semaphore, #tpu.memory_space<semaphore_mem>>, %arg22: memref<!tpu.dma_semaphore, #tpu.memory_space<semaphore_mem>>, %arg23: memref<!tpu.dma_semaphore, #tpu.memory_space<semaphore_mem>>, %arg24: memref<!tpu.dma_semaphore, #tpu.memory_space<semaphore_mem>>, %arg25: memref<!tpu.dma_semaphore, #tpu.memory_space<semaphore_mem>>, %arg26: memref<!tpu.dma_semaphore, #tpu.memory_space<semaphore_mem>>, %arg27: memref<!tpu.dma_semaphore, #tpu.memory_space<semaphore_mem>>, %arg28: memref<!tpu.dma_semaphore, #tpu.memory_space<semaphore_mem>>, %arg29: memref<!tpu.dma_semaphore, #tpu.memory_space<semaphore_mem>>) attributes {dimension_semantics = [#tpu.dimension_semantics<core_parallel>, #tpu.dimension_semantics<subcore_parallel>], iteration_bounds = array<i64: 2, 16>, scalar_prefetch = 0 : i64, scratch_operands = 19 : i64, tpu.core_type = #tpu.core_type<sc_vector_subcore>, window_params = [{transform_indices = #map}, {transform_indices = #map1}, {transform_indices = #map1}, {transform_indices = #map1}, {transform_indices = #map1}, {transform_indices = #map}, {transform_indices = #map}, {transform_indices = #map2}, {transform_indices = #map2}]} {
    "tpu.region"() ({
      %run_scoped3A = tpu.sem_alloc : memref<!tpu.dma_semaphore, #tpu.memory_space<semaphore_mem>>
      tpu.enqueue_dma source(%arg8 : memref<64x128xf32, #tpu.memory_space<hbm>>) target(%arg17 : memref<64x128xf32, #tpu.memory_space<vmem>>) target_semaphore(%run_scoped3A : memref<!tpu.dma_semaphore, #tpu.memory_space<semaphore_mem>>)
      tpu.wait_dma2 semaphore(%run_scoped3A : memref<!tpu.dma_semaphore, #tpu.memory_space<semaphore_mem>>) src(%arg8 : memref<64x128xf32, #tpu.memory_space<hbm>>) dst(%arg17 : memref<64x128xf32, #tpu.memory_space<vmem>>)
      tpu.yield
    }) : () -> ()
    %mul3A = arith.constant 632 : i32
    %mul3A_0 = arith.muli %arg1, %mul3A : i32
    %add3A = arith.constant 0 : i32
    %add3A_1 = arith.addi %mul3A_0, %add3A : i32
    %dma_start3A = arith.constant 0 : i32
    %dma_start3A_2 = tpu.memref_slice %arg11[%add3A_1, %dma_start3A] : memref<10112x128xf32, #tpu.memory_space<vmem_shared>> -> memref<64x128xf32, #tpu.memory_space<vmem_shared>>
    %dma_start3A_3 = arith.constant 0 : i32
    %dma_start3A_4 = tpu.memref_slice %arg11[%add3A_1, %dma_start3A_3] : memref<10112x128xf32, #tpu.memory_space<vmem_shared>> -> memref<64x128xf32, #tpu.memory_space<vmem_shared>>
    tpu.enqueue_dma source(%arg17 : memref<64x128xf32, #tpu.memory_space<vmem>>) target(%dma_start3A_4 : memref<64x128xf32, #tpu.memory_space<vmem_shared>>) target_semaphore(%arg29 : memref<!tpu.dma_semaphore, #tpu.memory_space<semaphore_mem>>)
    %add3A_5 = arith.constant 64 : i32
    %add3A_6 = arith.addi %mul3A_0, %add3A_5 : i32
    %dma_start3A_7 = arith.constant 0 : i32
    %dma_start3A_8 = tpu.memref_slice %arg11[%add3A_6, %dma_start3A_7] : memref<10112x128xf32, #tpu.memory_space<vmem_shared>> -> memref<64x128xf32, #tpu.memory_space<vmem_shared>>
    %dma_start3A_9 = arith.constant 0 : i32
    %dma_start3A_10 = tpu.memref_slice %arg11[%add3A_6, %dma_start3A_9] : memref<10112x128xf32, #tpu.memory_space<vmem_shared>> -> memref<64x128xf32, #tpu.memory_space<vmem_shared>>
    tpu.enqueue_dma source(%arg17 : memref<64x128xf32, #tpu.memory_space<vmem>>) target(%dma_start3A_10 : memref<64x128xf32, #tpu.memory_space<vmem_shared>>) target_semaphore(%arg29 : memref<!tpu.dma_semaphore, #tpu.memory_space<semaphore_mem>>)
    %add3A_11 = arith.constant 128 : i32
    %add3A_12 = arith.addi %mul3A_0, %add3A_11 : i32
    %dma_start3A_13 = arith.constant 0 : i32
    %dma_start3A_14 = tpu.memref_slice %arg11[%add3A_12, %dma_start3A_13] : memref<10112x128xf32, #tpu.memory_space<vmem_shared>> -> memref<64x128xf32, #tpu.memory_space<vmem_shared>>
    %dma_start3A_15 = arith.constant 0 : i32
    %dma_start3A_16 = tpu.memref_slice %arg11[%add3A_12, %dma_start3A_15] : memref<10112x128xf32, #tpu.memory_space<vmem_shared>> -> memref<64x128xf32, #tpu.memory_space<vmem_shared>>
    tpu.enqueue_dma source(%arg17 : memref<64x128xf32, #tpu.memory_space<vmem>>) target(%dma_start3A_16 : memref<64x128xf32, #tpu.memory_space<vmem_shared>>) target_semaphore(%arg29 : memref<!tpu.dma_semaphore, #tpu.memory_space<semaphore_mem>>)
    %add3A_17 = arith.constant 192 : i32
    %add3A_18 = arith.addi %mul3A_0, %add3A_17 : i32
    %dma_start3A_19 = arith.constant 0 : i32
    %dma_start3A_20 = tpu.memref_slice %arg11[%add3A_18, %dma_start3A_19] : memref<10112x128xf32, #tpu.memory_space<vmem_shared>> -> memref<64x128xf32, #tpu.memory_space<vmem_shared>>
    %dma_start3A_21 = arith.constant 0 : i32
    %dma_start3A_22 = tpu.memref_slice %arg11[%add3A_18, %dma_start3A_21] : memref<10112x128xf32, #tpu.memory_space<vmem_shared>> -> memref<64x128xf32, #tpu.memory_space<vmem_shared>>
    tpu.enqueue_dma source(%arg17 : memref<64x128xf32, #tpu.memory_space<vmem>>) target(%dma_start3A_22 : memref<64x128xf32, #tpu.memory_space<vmem_shared>>) target_semaphore(%arg29 : memref<!tpu.dma_semaphore, #tpu.memory_space<semaphore_mem>>)
    %add3A_23 = arith.constant 256 : i32
    %add3A_24 = arith.addi %mul3A_0, %add3A_23 : i32
    %dma_start3A_25 = arith.constant 0 : i32
    %dma_start3A_26 = tpu.memref_slice %arg11[%add3A_24, %dma_start3A_25] : memref<10112x128xf32, #tpu.memory_space<vmem_shared>> -> memref<64x128xf32, #tpu.memory_space<vmem_shared>>
    %dma_start3A_27 = arith.constant 0 : i32
    %dma_start3A_28 = tpu.memref_slice %arg11[%add3A_24, %dma_start3A_27] : memref<10112x128xf32, #tpu.memory_space<vmem_shared>> -> memref<64x128xf32, #tpu.memory_space<vmem_shared>>
    tpu.enqueue_dma source(%arg17 : memref<64x128xf32, #tpu.memory_space<vmem>>) target(%dma_start3A_28 : memref<64x128xf32, #tpu.memory_space<vmem_shared>>) target_semaphore(%arg29 : memref<!tpu.dma_semaphore, #tpu.memory_space<semaphore_mem>>)
    %add3A_29 = arith.constant 320 : i32
    %add3A_30 = arith.addi %mul3A_0, %add3A_29 : i32
    %dma_start3A_31 = arith.constant 0 : i32
    %dma_start3A_32 = tpu.memref_slice %arg11[%add3A_30, %dma_start3A_31] : memref<10112x128xf32, #tpu.memory_space<vmem_shared>> -> memref<64x128xf32, #tpu.memory_space<vmem_shared>>
    %dma_start3A_33 = arith.constant 0 : i32
    %dma_start3A_34 = tpu.memref_slice %arg11[%add3A_30, %dma_start3A_33] : memref<10112x128xf32, #tpu.memory_space<vmem_shared>> -> memref<64x128xf32, #tpu.memory_space<vmem_shared>>
    tpu.enqueue_dma source(%arg17 : memref<64x128xf32, #tpu.memory_space<vmem>>) target(%dma_start3A_34 : memref<64x128xf32, #tpu.memory_space<vmem_shared>>) target_semaphore(%arg29 : memref<!tpu.dma_semaphore, #tpu.memory_space<semaphore_mem>>)
    %add3A_35 = arith.constant 384 : i32
    %add3A_36 = arith.addi %mul3A_0, %add3A_35 : i32
    %dma_start3A_37 = arith.constant 0 : i32
    %dma_start3A_38 = tpu.memref_slice %arg11[%add3A_36, %dma_start3A_37] : memref<10112x128xf32, #tpu.memory_space<vmem_shared>> -> memref<64x128xf32, #tpu.memory_space<vmem_shared>>
    %dma_start3A_39 = arith.constant 0 : i32
    %dma_start3A_40 = tpu.memref_slice %arg11[%add3A_36, %dma_start3A_39] : memref<10112x128xf32, #tpu.memory_space<vmem_shared>> -> memref<64x128xf32, #tpu.memory_space<vmem_shared>>
    tpu.enqueue_dma source(%arg17 : memref<64x128xf32, #tpu.memory_space<vmem>>) target(%dma_start3A_40 : memref<64x128xf32, #tpu.memory_space<vmem_shared>>) target_semaphore(%arg29 : memref<!tpu.dma_semaphore, #tpu.memory_space<semaphore_mem>>)
    %add3A_41 = arith.constant 448 : i32
    %add3A_42 = arith.addi %mul3A_0, %add3A_41 : i32
    %dma_start3A_43 = arith.constant 0 : i32
    %dma_start3A_44 = tpu.memref_slice %arg11[%add3A_42, %dma_start3A_43] : memref<10112x128xf32, #tpu.memory_space<vmem_shared>> -> memref<64x128xf32, #tpu.memory_space<vmem_shared>>
    %dma_start3A_45 = arith.constant 0 : i32
    %dma_start3A_46 = tpu.memref_slice %arg11[%add3A_42, %dma_start3A_45] : memref<10112x128xf32, #tpu.memory_space<vmem_shared>> -> memref<64x128xf32, #tpu.memory_space<vmem_shared>>
    tpu.enqueue_dma source(%arg17 : memref<64x128xf32, #tpu.memory_space<vmem>>) target(%dma_start3A_46 : memref<64x128xf32, #tpu.memory_space<vmem_shared>>) target_semaphore(%arg29 : memref<!tpu.dma_semaphore, #tpu.memory_space<semaphore_mem>>)
    %add3A_47 = arith.constant 512 : i32
    %add3A_48 = arith.addi %mul3A_0, %add3A_47 : i32
    %dma_start3A_49 = arith.constant 0 : i32
    %dma_start3A_50 = tpu.memref_slice %arg11[%add3A_48, %dma_start3A_49] : memref<10112x128xf32, #tpu.memory_space<vmem_shared>> -> memref<64x128xf32, #tpu.memory_space<vmem_shared>>
    %dma_start3A_51 = arith.constant 0 : i32
    %dma_start3A_52 = tpu.memref_slice %arg11[%add3A_48, %dma_start3A_51] : memref<10112x128xf32, #tpu.memory_space<vmem_shared>> -> memref<64x128xf32, #tpu.memory_space<vmem_shared>>
    tpu.enqueue_dma source(%arg17 : memref<64x128xf32, #tpu.memory_space<vmem>>) target(%dma_start3A_52 : memref<64x128xf32, #tpu.memory_space<vmem_shared>>) target_semaphore(%arg29 : memref<!tpu.dma_semaphore, #tpu.memory_space<semaphore_mem>>)
    %add3A_53 = arith.constant 576 : i32
    %add3A_54 = arith.addi %mul3A_0, %add3A_53 : i32
    %dma_start3A_55 = arith.constant 0 : i32
    %dma_start3A_56 = arith.constant 0 : i32
    %dma_start3A_57 = tpu.memref_slice %arg17[%dma_start3A_55, %dma_start3A_56] : memref<64x128xf32, #tpu.memory_space<vmem>> -> memref<56x128xf32, #tpu.memory_space<vmem>>
    %dma_start3A_58 = arith.constant 0 : i32
    %dma_start3A_59 = tpu.memref_slice %arg11[%add3A_54, %dma_start3A_58] : memref<10112x128xf32, #tpu.memory_space<vmem_shared>> -> memref<56x128xf32, #tpu.memory_space<vmem_shared>>
    %dma_start3A_60 = arith.constant 0 : i32
    %dma_start3A_61 = tpu.memref_slice %arg11[%add3A_54, %dma_start3A_60] : memref<10112x128xf32, #tpu.memory_space<vmem_shared>> -> memref<56x128xf32, #tpu.memory_space<vmem_shared>>
    %dma_start3A_62 = arith.constant 0 : i32
    %dma_start3A_63 = arith.constant 0 : i32
    %dma_start3A_64 = tpu.memref_slice %arg17[%dma_start3A_62, %dma_start3A_63] : memref<64x128xf32, #tpu.memory_space<vmem>> -> memref<56x128xf32, #tpu.memory_space<vmem>>
    tpu.enqueue_dma source(%dma_start3A_64 : memref<56x128xf32, #tpu.memory_space<vmem>>) target(%dma_start3A_61 : memref<56x128xf32, #tpu.memory_space<vmem_shared>>) target_semaphore(%arg29 : memref<!tpu.dma_semaphore, #tpu.memory_space<semaphore_mem>>)
    %mul3A_65 = arith.constant 80 : i32
    %mul3A_66 = arith.muli %arg1, %mul3A_65 : i32
    %add3A_67 = arith.constant 0 : i32
    %add3A_68 = arith.addi %mul3A_66, %add3A_67 : i32
    %dma_start3A_69 = arith.constant 0 : i32
    %dma_start3A_70 = arith.constant 0 : i32
    %dma_start3A_71 = tpu.memref_slice %arg17[%dma_start3A_69, %dma_start3A_70] : memref<64x128xf32, #tpu.memory_space<vmem>> -> memref<64x128xf32, #tpu.memory_space<vmem>>
    %dma_start3A_72 = arith.constant 0 : i32
    %dma_start3A_73 = tpu.memref_slice %arg12[%add3A_68, %dma_start3A_72] : memref<1280x128xf32, #tpu.memory_space<vmem_shared>> -> memref<64x128xf32, #tpu.memory_space<vmem_shared>>
    %dma_start3A_74 = arith.constant 0 : i32
    %dma_start3A_75 = tpu.memref_slice %arg12[%add3A_68, %dma_start3A_74] : memref<1280x128xf32, #tpu.memory_space<vmem_shared>> -> memref<64x128xf32, #tpu.memory_space<vmem_shared>>
    %dma_start3A_76 = arith.constant 0 : i32
    %dma_start3A_77 = arith.constant 0 : i32
    %dma_start3A_78 = tpu.memref_slice %arg17[%dma_start3A_76, %dma_start3A_77] : memref<64x128xf32, #tpu.memory_space<vmem>> -> memref<64x128xf32, #tpu.memory_space<vmem>>
    tpu.enqueue_dma source(%dma_start3A_78 : memref<64x128xf32, #tpu.memory_space<vmem>>) target(%dma_start3A_75 : memref<64x128xf32, #tpu.memory_space<vmem_shared>>) target_semaphore(%arg29 : memref<!tpu.dma_semaphore, #tpu.memory_space<semaphore_mem>>)
    %add3A_79 = arith.constant 64 : i32
    %add3A_80 = arith.addi %mul3A_66, %add3A_79 : i32
    %dma_start3A_81 = arith.constant 0 : i32
    %dma_start3A_82 = arith.constant 0 : i32
    %dma_start3A_83 = tpu.memref_slice %arg17[%dma_start3A_81, %dma_start3A_82] : memref<64x128xf32, #tpu.memory_space<vmem>> -> memref<16x128xf32, #tpu.memory_space<vmem>>
    %dma_start3A_84 = arith.constant 0 : i32
    %dma_start3A_85 = tpu.memref_slice %arg12[%add3A_80, %dma_start3A_84] : memref<1280x128xf32, #tpu.memory_space<vmem_shared>> -> memref<16x128xf32, #tpu.memory_space<vmem_shared>>
    %dma_start3A_86 = arith.constant 0 : i32
    %dma_start3A_87 = tpu.memref_slice %arg12[%add3A_80, %dma_start3A_86] : memref<1280x128xf32, #tpu.memory_space<vmem_shared>> -> memref<16x128xf32, #tpu.memory_space<vmem_shared>>
    %dma_start3A_88 = arith.constant 0 : i32
    %dma_start3A_89 = arith.constant 0 : i32
    %dma_start3A_90 = tpu.memref_slice %arg17[%dma_start3A_88, %dma_start3A_89] : memref<64x128xf32, #tpu.memory_space<vmem>> -> memref<16x128xf32, #tpu.memory_space<vmem>>
    tpu.enqueue_dma source(%dma_start3A_90 : memref<16x128xf32, #tpu.memory_space<vmem>>) target(%dma_start3A_87 : memref<16x128xf32, #tpu.memory_space<vmem_shared>>) target_semaphore(%arg29 : memref<!tpu.dma_semaphore, #tpu.memory_space<semaphore_mem>>)
    %dma_wait3A = arith.constant 0 : i32
    %dma_wait3A_91 = tpu.memref_slice %arg11[%add3A_1, %dma_wait3A] : memref<10112x128xf32, #tpu.memory_space<vmem_shared>> -> memref<64x128xf32, #tpu.memory_space<vmem_shared>>
    %dma_wait3A_92 = arith.constant 0 : i32
    %dma_wait3A_93 = tpu.memref_slice %arg11[%add3A_1, %dma_wait3A_92] : memref<10112x128xf32, #tpu.memory_space<vmem_shared>> -> memref<64x128xf32, #tpu.memory_space<vmem_shared>>
    tpu.wait_dma2 semaphore(%arg29 : memref<!tpu.dma_semaphore, #tpu.memory_space<semaphore_mem>>) src(%arg17 : memref<64x128xf32, #tpu.memory_space<vmem>>) dst(%dma_wait3A_93 : memref<64x128xf32, #tpu.memory_space<vmem_shared>>)
    %dma_wait3A_94 = arith.constant 0 : i32
    %dma_wait3A_95 = tpu.memref_slice %arg11[%add3A_6, %dma_wait3A_94] : memref<10112x128xf32, #tpu.memory_space<vmem_shared>> -> memref<64x128xf32, #tpu.memory_space<vmem_shared>>
    %dma_wait3A_96 = arith.constant 0 : i32
    %dma_wait3A_97 = tpu.memref_slice %arg11[%add3A_6, %dma_wait3A_96] : memref<10112x128xf32, #tpu.memory_space<vmem_shared>> -> memref<64x128xf32, #tpu.memory_space<vmem_shared>>
    tpu.wait_dma2 semaphore(%arg29 : memref<!tpu.dma_semaphore, #tpu.memory_space<semaphore_mem>>) src(%arg17 : memref<64x128xf32, #tpu.memory_space<vmem>>) dst(%dma_wait3A_97 : memref<64x128xf32, #tpu.memory_space<vmem_shared>>)
    %dma_wait3A_98 = arith.constant 0 : i32
    %dma_wait3A_99 = tpu.memref_slice %arg11[%add3A_12, %dma_wait3A_98] : memref<10112x128xf32, #tpu.memory_space<vmem_shared>> -> memref<64x128xf32, #tpu.memory_space<vmem_shared>>
    %dma_wait3A_100 = arith.constant 0 : i32
    %dma_wait3A_101 = tpu.memref_slice %arg11[%add3A_12, %dma_wait3A_100] : memref<10112x128xf32, #tpu.memory_space<vmem_shared>> -> memref<64x128xf32, #tpu.memory_space<vmem_shared>>
    tpu.wait_dma2 semaphore(%arg29 : memref<!tpu.dma_semaphore, #tpu.memory_space<semaphore_mem>>) src(%arg17 : memref<64x128xf32, #tpu.memory_space<vmem>>) dst(%dma_wait3A_101 : memref<64x128xf32, #tpu.memory_space<vmem_shared>>)
    %dma_wait3A_102 = arith.constant 0 : i32
    %dma_wait3A_103 = tpu.memref_slice %arg11[%add3A_18, %dma_wait3A_102] : memref<10112x128xf32, #tpu.memory_space<vmem_shared>> -> memref<64x128xf32, #tpu.memory_space<vmem_shared>>
    %dma_wait3A_104 = arith.constant 0 : i32
    %dma_wait3A_105 = tpu.memref_slice %arg11[%add3A_18, %dma_wait3A_104] : memref<10112x128xf32, #tpu.memory_space<vmem_shared>> -> memref<64x128xf32, #tpu.memory_space<vmem_shared>>
    tpu.wait_dma2 semaphore(%arg29 : memref<!tpu.dma_semaphore, #tpu.memory_space<semaphore_mem>>) src(%arg17 : memref<64x128xf32, #tpu.memory_space<vmem>>) dst(%dma_wait3A_105 : memref<64x128xf32, #tpu.memory_space<vmem_shared>>)
    %dma_wait3A_106 = arith.constant 0 : i32
    %dma_wait3A_107 = tpu.memref_slice %arg11[%add3A_24, %dma_wait3A_106] : memref<10112x128xf32, #tpu.memory_space<vmem_shared>> -> memref<64x128xf32, #tpu.memory_space<vmem_shared>>
    %dma_wait3A_108 = arith.constant 0 : i32
    %dma_wait3A_109 = tpu.memref_slice %arg11[%add3A_24, %dma_wait3A_108] : memref<10112x128xf32, #tpu.memory_space<vmem_shared>> -> memref<64x128xf32, #tpu.memory_space<vmem_shared>>
    tpu.wait_dma2 semaphore(%arg29 : memref<!tpu.dma_semaphore, #tpu.memory_space<semaphore_mem>>) src(%arg17 : memref<64x128xf32, #tpu.memory_space<vmem>>) dst(%dma_wait3A_109 : memref<64x128xf32, #tpu.memory_space<vmem_shared>>)
    %dma_wait3A_110 = arith.constant 0 : i32
    %dma_wait3A_111 = tpu.memref_slice %arg11[%add3A_30, %dma_wait3A_110] : memref<10112x128xf32, #tpu.memory_space<vmem_shared>> -> memref<64x128xf32, #tpu.memory_space<vmem_shared>>
    %dma_wait3A_112 = arith.constant 0 : i32
    %dma_wait3A_113 = tpu.memref_slice %arg11[%add3A_30, %dma_wait3A_112] : memref<10112x128xf32, #tpu.memory_space<vmem_shared>> -> memref<64x128xf32, #tpu.memory_space<vmem_shared>>
    tpu.wait_dma2 semaphore(%arg29 : memref<!tpu.dma_semaphore, #tpu.memory_space<semaphore_mem>>) src(%arg17 : memref<64x128xf32, #tpu.memory_space<vmem>>) dst(%dma_wait3A_113 : memref<64x128xf32, #tpu.memory_space<vmem_shared>>)
    %dma_wait3A_114 = arith.constant 0 : i32
    %dma_wait3A_115 = tpu.memref_slice %arg11[%add3A_36, %dma_wait3A_114] : memref<10112x128xf32, #tpu.memory_space<vmem_shared>> -> memref<64x128xf32, #tpu.memory_space<vmem_shared>>
    %dma_wait3A_116 = arith.constant 0 : i32
    %dma_wait3A_117 = tpu.memref_slice %arg11[%add3A_36, %dma_wait3A_116] : memref<10112x128xf32, #tpu.memory_space<vmem_shared>> -> memref<64x128xf32, #tpu.memory_space<vmem_shared>>
    tpu.wait_dma2 semaphore(%arg29 : memref<!tpu.dma_semaphore, #tpu.memory_space<semaphore_mem>>) src(%arg17 : memref<64x128xf32, #tpu.memory_space<vmem>>) dst(%dma_wait3A_117 : memref<64x128xf32, #tpu.memory_space<vmem_shared>>)
    %dma_wait3A_118 = arith.constant 0 : i32
    %dma_wait3A_119 = tpu.memref_slice %arg11[%add3A_42, %dma_wait3A_118] : memref<10112x128xf32, #tpu.memory_space<vmem_shared>> -> memref<64x128xf32, #tpu.memory_space<vmem_shared>>
    %dma_wait3A_120 = arith.constant 0 : i32
    %dma_wait3A_121 = tpu.memref_slice %arg11[%add3A_42, %dma_wait3A_120] : memref<10112x128xf32, #tpu.memory_space<vmem_shared>> -> memref<64x128xf32, #tpu.memory_space<vmem_shared>>
    tpu.wait_dma2 semaphore(%arg29 : memref<!tpu.dma_semaphore, #tpu.memory_space<semaphore_mem>>) src(%arg17 : memref<64x128xf32, #tpu.memory_space<vmem>>) dst(%dma_wait3A_121 : memref<64x128xf32, #tpu.memory_space<vmem_shared>>)
    %dma_wait3A_122 = arith.constant 0 : i32
    %dma_wait3A_123 = tpu.memref_slice %arg11[%add3A_48, %dma_wait3A_122] : memref<10112x128xf32, #tpu.memory_space<vmem_shared>> -> memref<64x128xf32, #tpu.memory_space<vmem_shared>>
    %dma_wait3A_124 = arith.constant 0 : i32
    %dma_wait3A_125 = tpu.memref_slice %arg11[%add3A_48, %dma_wait3A_124] : memref<10112x128xf32, #tpu.memory_space<vmem_shared>> -> memref<64x128xf32, #tpu.memory_space<vmem_shared>>
    tpu.wait_dma2 semaphore(%arg29 : memref<!tpu.dma_semaphore, #tpu.memory_space<semaphore_mem>>) src(%arg17 : memref<64x128xf32, #tpu.memory_space<vmem>>) dst(%dma_wait3A_125 : memref<64x128xf32, #tpu.memory_space<vmem_shared>>)
    %dma_wait3A_126 = arith.constant 0 : i32
    %dma_wait3A_127 = arith.constant 0 : i32
    %dma_wait3A_128 = tpu.memref_slice %arg17[%dma_wait3A_126, %dma_wait3A_127] : memref<64x128xf32, #tpu.memory_space<vmem>> -> memref<56x128xf32, #tpu.memory_space<vmem>>
    %dma_wait3A_129 = arith.constant 0 : i32
    %dma_wait3A_130 = tpu.memref_slice %arg11[%add3A_54, %dma_wait3A_129] : memref<10112x128xf32, #tpu.memory_space<vmem_shared>> -> memref<56x128xf32, #tpu.memory_space<vmem_shared>>
    %dma_wait3A_131 = arith.constant 0 : i32
    %dma_wait3A_132 = tpu.memref_slice %arg11[%add3A_54, %dma_wait3A_131] : memref<10112x128xf32, #tpu.memory_space<vmem_shared>> -> memref<56x128xf32, #tpu.memory_space<vmem_shared>>
    %dma_wait3A_133 = arith.constant 0 : i32
    %dma_wait3A_134 = arith.constant 0 : i32
    %dma_wait3A_135 = tpu.memref_slice %arg17[%dma_wait3A_133, %dma_wait3A_134] : memref<64x128xf32, #tpu.memory_space<vmem>> -> memref<56x128xf32, #tpu.memory_space<vmem>>
    tpu.wait_dma2 semaphore(%arg29 : memref<!tpu.dma_semaphore, #tpu.memory_space<semaphore_mem>>) src(%dma_wait3A_135 : memref<56x128xf32, #tpu.memory_space<vmem>>) dst(%dma_wait3A_132 : memref<56x128xf32, #tpu.memory_space<vmem_shared>>)
    %dma_wait3A_136 = arith.constant 0 : i32
    %dma_wait3A_137 = arith.constant 0 : i32
    %dma_wait3A_138 = tpu.memref_slice %arg17[%dma_wait3A_136, %dma_wait3A_137] : memref<64x128xf32, #tpu.memory_space<vmem>> -> memref<64x128xf32, #tpu.memory_space<vmem>>
    %dma_wait3A_139 = arith.constant 0 : i32
    %dma_wait3A_140 = tpu.memref_slice %arg12[%add3A_68, %dma_wait3A_139] : memref<1280x128xf32, #tpu.memory_space<vmem_shared>> -> memref<64x128xf32, #tpu.memory_space<vmem_shared>>
    %dma_wait3A_141 = arith.constant 0 : i32
    %dma_wait3A_142 = tpu.memref_slice %arg12[%add3A_68, %dma_wait3A_141] : memref<1280x128xf32, #tpu.memory_space<vmem_shared>> -> memref<64x128xf32, #tpu.memory_space<vmem_shared>>
    %dma_wait3A_143 = arith.constant 0 : i32
    %dma_wait3A_144 = arith.constant 0 : i32
    %dma_wait3A_145 = tpu.memref_slice %arg17[%dma_wait3A_143, %dma_wait3A_144] : memref<64x128xf32, #tpu.memory_space<vmem>> -> memref<64x128xf32, #tpu.memory_space<vmem>>
    tpu.wait_dma2 semaphore(%arg29 : memref<!tpu.dma_semaphore, #tpu.memory_space<semaphore_mem>>) src(%dma_wait3A_145 : memref<64x128xf32, #tpu.memory_space<vmem>>) dst(%dma_wait3A_142 : memref<64x128xf32, #tpu.memory_space<vmem_shared>>)
    %dma_wait3A_146 = arith.constant 0 : i32
    %dma_wait3A_147 = arith.constant 0 : i32
    %dma_wait3A_148 = tpu.memref_slice %arg17[%dma_wait3A_146, %dma_wait3A_147] : memref<64x128xf32, #tpu.memory_space<vmem>> -> memref<16x128xf32, #tpu.memory_space<vmem>>
    %dma_wait3A_149 = arith.constant 0 : i32
    %dma_wait3A_150 = tpu.memref_slice %arg12[%add3A_80, %dma_wait3A_149] : memref<1280x128xf32, #tpu.memory_space<vmem_shared>> -> memref<16x128xf32, #tpu.memory_space<vmem_shared>>
    %dma_wait3A_151 = arith.constant 0 : i32
    %dma_wait3A_152 = tpu.memref_slice %arg12[%add3A_80, %dma_wait3A_151] : memref<1280x128xf32, #tpu.memory_space<vmem_shared>> -> memref<16x128xf32, #tpu.memory_space<vmem_shared>>
    %dma_wait3A_153 = arith.constant 0 : i32
    %dma_wait3A_154 = arith.constant 0 : i32
    %dma_wait3A_155 = tpu.memref_slice %arg17[%dma_wait3A_153, %dma_wait3A_154] : memref<64x128xf32, #tpu.memory_space<vmem>> -> memref<16x128xf32, #tpu.memory_space<vmem>>
    tpu.wait_dma2 semaphore(%arg29 : memref<!tpu.dma_semaphore, #tpu.memory_space<semaphore_mem>>) src(%dma_wait3A_155 : memref<16x128xf32, #tpu.memory_space<vmem>>) dst(%dma_wait3A_152 : memref<16x128xf32, #tpu.memory_space<vmem_shared>>)
    %barrier3A = arith.constant 0 : index
    tpu.barrier barrier_id(%barrier3A)
    %mul3A_156 = arith.constant 16 : i32
    %mul3A_157 = arith.muli %arg0, %mul3A_156 : i32
    %add3A_158 = arith.addi %mul3A_157, %arg1 : i32
    %scan3A = arith.constant 0 : i32
    %scan3A_159 = arith.constant 20 : i32
    %scan3A_160 = arith.addi %scan3A, %scan3A_159 : i32
    %scan3A_161 = arith.constant 1 : i32
    scf.for %scan3A_170 = %scan3A to %scan3A_160 step %scan3A_161  : i32 {
      %mul3A_171 = arith.constant 1 : i32
      %mul3A_172 = arith.muli %scan3A_170, %mul3A_171 : i32
      %add3A_173 = arith.constant 0 : i32
      %add3A_174 = arith.addi %add3A_173, %mul3A_172 : i32
      %dma_start3A_175 = arith.constant 0 : i32
      %dma_start3A_176 = arith.constant 0 : i32
      %dma_start3A_177 = tpu.memref_slice %arg3[%arg1, %add3A_174, %dma_start3A_175, %dma_start3A_176] : memref<16x20x8x64xi32, #tpu.memory_space<hbm>> -> memref<1x1x8x64xi32, #tpu.memory_space<hbm>>
      %dma_start3A_178 = tpu.memref_squeeze %dma_start3A_177 : memref<1x1x8x64xi32, #tpu.memory_space<hbm>> -> memref<8x64xi32, #tpu.memory_space<hbm>>
      %dma_start3A_179 = arith.constant 0 : i32
      %dma_start3A_180 = arith.constant 0 : i32
      %dma_start3A_181 = tpu.memref_slice %arg3[%arg1, %add3A_174, %dma_start3A_179, %dma_start3A_180] : memref<16x20x8x64xi32, #tpu.memory_space<hbm>> -> memref<1x1x8x64xi32, #tpu.memory_space<hbm>>
      %dma_start3A_182 = tpu.memref_squeeze %dma_start3A_181 : memref<1x1x8x64xi32, #tpu.memory_space<hbm>> -> memref<8x64xi32, #tpu.memory_space<hbm>>
      tpu.enqueue_dma source(%dma_start3A_182 : memref<8x64xi32, #tpu.memory_space<hbm>>) target(%arg13 : memref<8x64xi32, #tpu.memory_space<vmem>>) target_semaphore(%arg29 : memref<!tpu.dma_semaphore, #tpu.memory_space<semaphore_mem>>)
      %dma_start3A_183 = arith.constant 0 : i32
      %dma_start3A_184 = arith.constant 0 : i32
      %dma_start3A_185 = tpu.memref_slice %arg4[%add3A_158, %add3A_174, %dma_start3A_183, %dma_start3A_184] : memref<32x20x8x64xi32, #tpu.memory_space<hbm>> -> memref<1x1x8x64xi32, #tpu.memory_space<hbm>>
      %dma_start3A_186 = tpu.memref_squeeze %dma_start3A_185 : memref<1x1x8x64xi32, #tpu.memory_space<hbm>> -> memref<8x64xi32, #tpu.memory_space<hbm>>
      %dma_start3A_187 = arith.constant 0 : i32
      %dma_start3A_188 = arith.constant 0 : i32
      %dma_start3A_189 = tpu.memref_slice %arg4[%add3A_158, %add3A_174, %dma_start3A_187, %dma_start3A_188] : memref<32x20x8x64xi32, #tpu.memory_space<hbm>> -> memref<1x1x8x64xi32, #tpu.memory_space<hbm>>
      %dma_start3A_190 = tpu.memref_squeeze %dma_start3A_189 : memref<1x1x8x64xi32, #tpu.memory_space<hbm>> -> memref<8x64xi32, #tpu.memory_space<hbm>>
      tpu.enqueue_dma source(%dma_start3A_190 : memref<8x64xi32, #tpu.memory_space<hbm>>) target(%arg14 : memref<8x64xi32, #tpu.memory_space<vmem>>) target_semaphore(%arg29 : memref<!tpu.dma_semaphore, #tpu.memory_space<semaphore_mem>>)
      %dma_start3A_191 = arith.constant 0 : i32
      %dma_start3A_192 = arith.constant 0 : i32
      %dma_start3A_193 = tpu.memref_slice %arg5[%arg1, %add3A_174, %dma_start3A_191, %dma_start3A_192] : memref<16x20x8x64xi32, #tpu.memory_space<hbm>> -> memref<1x1x8x64xi32, #tpu.memory_space<hbm>>
      %dma_start3A_194 = tpu.memref_squeeze %dma_start3A_193 : memref<1x1x8x64xi32, #tpu.memory_space<hbm>> -> memref<8x64xi32, #tpu.memory_space<hbm>>
      %dma_start3A_195 = arith.constant 0 : i32
      %dma_start3A_196 = arith.constant 0 : i32
      %dma_start3A_197 = tpu.memref_slice %arg5[%arg1, %add3A_174, %dma_start3A_195, %dma_start3A_196] : memref<16x20x8x64xi32, #tpu.memory_space<hbm>> -> memref<1x1x8x64xi32, #tpu.memory_space<hbm>>
      %dma_start3A_198 = tpu.memref_squeeze %dma_start3A_197 : memref<1x1x8x64xi32, #tpu.memory_space<hbm>> -> memref<8x64xi32, #tpu.memory_space<hbm>>
      tpu.enqueue_dma source(%dma_start3A_198 : memref<8x64xi32, #tpu.memory_space<hbm>>) target(%arg15 : memref<8x64xi32, #tpu.memory_space<vmem>>) target_semaphore(%arg29 : memref<!tpu.dma_semaphore, #tpu.memory_space<semaphore_mem>>)
      %dma_start3A_199 = arith.constant 0 : i32
      %dma_start3A_200 = arith.constant 0 : i32
      %dma_start3A_201 = tpu.memref_slice %arg6[%arg1, %add3A_174, %dma_start3A_199, %dma_start3A_200] : memref<16x20x8x64xi32, #tpu.memory_space<hbm>> -> memref<1x1x8x64xi32, #tpu.memory_space<hbm>>
      %dma_start3A_202 = tpu.memref_squeeze %dma_start3A_201 : memref<1x1x8x64xi32, #tpu.memory_space<hbm>> -> memref<8x64xi32, #tpu.memory_space<hbm>>
      %dma_start3A_203 = arith.constant 0 : i32
      %dma_start3A_204 = arith.constant 0 : i32
      %dma_start3A_205 = tpu.memref_slice %arg6[%arg1, %add3A_174, %dma_start3A_203, %dma_start3A_204] : memref<16x20x8x64xi32, #tpu.memory_space<hbm>> -> memref<1x1x8x64xi32, #tpu.memory_space<hbm>>
      %dma_start3A_206 = tpu.memref_squeeze %dma_start3A_205 : memref<1x1x8x64xi32, #tpu.memory_space<hbm>> -> memref<8x64xi32, #tpu.memory_space<hbm>>
      tpu.enqueue_dma source(%dma_start3A_206 : memref<8x64xi32, #tpu.memory_space<hbm>>) target(%arg16 : memref<8x64xi32, #tpu.memory_space<vmem>>) target_semaphore(%arg29 : memref<!tpu.dma_semaphore, #tpu.memory_space<semaphore_mem>>)
      %dma_wait3A_207 = arith.constant 0 : i32
      %dma_wait3A_208 = arith.constant 0 : i32
      %dma_wait3A_209 = tpu.memref_slice %arg3[%arg1, %add3A_174, %dma_wait3A_207, %dma_wait3A_208] : memref<16x20x8x64xi32, #tpu.memory_space<hbm>> -> memref<1x1x8x64xi32, #tpu.memory_space<hbm>>
      %dma_wait3A_210 = tpu.memref_squeeze %dma_wait3A_209 : memref<1x1x8x64xi32, #tpu.memory_space<hbm>> -> memref<8x64xi32, #tpu.memory_space<hbm>>
      %dma_wait3A_211 = arith.constant 0 : i32
      %dma_wait3A_212 = arith.constant 0 : i32
      %dma_wait3A_213 = tpu.memref_slice %arg3[%arg1, %add3A_174, %dma_wait3A_211, %dma_wait3A_212] : memref<16x20x8x64xi32, #tpu.memory_space<hbm>> -> memref<1x1x8x64xi32, #tpu.memory_space<hbm>>
      %dma_wait3A_214 = tpu.memref_squeeze %dma_wait3A_213 : memref<1x1x8x64xi32, #tpu.memory_space<hbm>> -> memref<8x64xi32, #tpu.memory_space<hbm>>
      tpu.wait_dma2 semaphore(%arg29 : memref<!tpu.dma_semaphore, #tpu.memory_space<semaphore_mem>>) src(%dma_wait3A_214 : memref<8x64xi32, #tpu.memory_space<hbm>>) dst(%arg13 : memref<8x64xi32, #tpu.memory_space<vmem>>)
      %dma_wait3A_215 = arith.constant 0 : i32
      %dma_wait3A_216 = arith.constant 0 : i32
      %dma_wait3A_217 = tpu.memref_slice %arg4[%add3A_158, %add3A_174, %dma_wait3A_215, %dma_wait3A_216] : memref<32x20x8x64xi32, #tpu.memory_space<hbm>> -> memref<1x1x8x64xi32, #tpu.memory_space<hbm>>
      %dma_wait3A_218 = tpu.memref_squeeze %dma_wait3A_217 : memref<1x1x8x64xi32, #tpu.memory_space<hbm>> -> memref<8x64xi32, #tpu.memory_space<hbm>>
      %dma_wait3A_219 = arith.constant 0 : i32
      %dma_wait3A_220 = arith.constant 0 : i32
      %dma_wait3A_221 = tpu.memref_slice %arg4[%add3A_158, %add3A_174, %dma_wait3A_219, %dma_wait3A_220] : memref<32x20x8x64xi32, #tpu.memory_space<hbm>> -> memref<1x1x8x64xi32, #tpu.memory_space<hbm>>
      %dma_wait3A_222 = tpu.memref_squeeze %dma_wait3A_221 : memref<1x1x8x64xi32, #tpu.memory_space<hbm>> -> memref<8x64xi32, #tpu.memory_space<hbm>>
      tpu.wait_dma2 semaphore(%arg29 : memref<!tpu.dma_semaphore, #tpu.memory_space<semaphore_mem>>) src(%dma_wait3A_222 : memref<8x64xi32, #tpu.memory_space<hbm>>) dst(%arg14 : memref<8x64xi32, #tpu.memory_space<vmem>>)
      %dma_wait3A_223 = arith.constant 0 : i32
      %dma_wait3A_224 = arith.constant 0 : i32
      %dma_wait3A_225 = tpu.memref_slice %arg5[%arg1, %add3A_174, %dma_wait3A_223, %dma_wait3A_224] : memref<16x20x8x64xi32, #tpu.memory_space<hbm>> -> memref<1x1x8x64xi32, #tpu.memory_space<hbm>>
      %dma_wait3A_226 = tpu.memref_squeeze %dma_wait3A_225 : memref<1x1x8x64xi32, #tpu.memory_space<hbm>> -> memref<8x64xi32, #tpu.memory_space<hbm>>
      %dma_wait3A_227 = arith.constant 0 : i32
      %dma_wait3A_228 = arith.constant 0 : i32
      %dma_wait3A_229 = tpu.memref_slice %arg5[%arg1, %add3A_174, %dma_wait3A_227, %dma_wait3A_228] : memref<16x20x8x64xi32, #tpu.memory_space<hbm>> -> memref<1x1x8x64xi32, #tpu.memory_space<hbm>>
      %dma_wait3A_230 = tpu.memref_squeeze %dma_wait3A_229 : memref<1x1x8x64xi32, #tpu.memory_space<hbm>> -> memref<8x64xi32, #tpu.memory_space<hbm>>
      tpu.wait_dma2 semaphore(%arg29 : memref<!tpu.dma_semaphore, #tpu.memory_space<semaphore_mem>>) src(%dma_wait3A_230 : memref<8x64xi32, #tpu.memory_space<hbm>>) dst(%arg15 : memref<8x64xi32, #tpu.memory_space<vmem>>)
      %dma_wait3A_231 = arith.constant 0 : i32
      %dma_wait3A_232 = arith.constant 0 : i32
      %dma_wait3A_233 = tpu.memref_slice %arg6[%arg1, %add3A_174, %dma_wait3A_231, %dma_wait3A_232] : memref<16x20x8x64xi32, #tpu.memory_space<hbm>> -> memref<1x1x8x64xi32, #tpu.memory_space<hbm>>
      %dma_wait3A_234 = tpu.memref_squeeze %dma_wait3A_233 : memref<1x1x8x64xi32, #tpu.memory_space<hbm>> -> memref<8x64xi32, #tpu.memory_space<hbm>>
      %dma_wait3A_235 = arith.constant 0 : i32
      %dma_wait3A_236 = arith.constant 0 : i32
      %dma_wait3A_237 = tpu.memref_slice %arg6[%arg1, %add3A_174, %dma_wait3A_235, %dma_wait3A_236] : memref<16x20x8x64xi32, #tpu.memory_space<hbm>> -> memref<1x1x8x64xi32, #tpu.memory_space<hbm>>
      %dma_wait3A_238 = tpu.memref_squeeze %dma_wait3A_237 : memref<1x1x8x64xi32, #tpu.memory_space<hbm>> -> memref<8x64xi32, #tpu.memory_space<hbm>>
      tpu.wait_dma2 semaphore(%arg29 : memref<!tpu.dma_semaphore, #tpu.memory_space<semaphore_mem>>) src(%dma_wait3A_238 : memref<8x64xi32, #tpu.memory_space<hbm>>) dst(%arg16 : memref<8x64xi32, #tpu.memory_space<vmem>>)
      %and3A = arith.constant 1 : i32
      %and3A_239 = arith.andi %add3A_174, %and3A : i32
      %eq3A_240 = arith.cmpi eq, %and3A_239, %arg0 : i32
      %convert_element_type3A_241 = arith.extui %eq3A_240 : i1 to i32
      %cond3A_242 = arith.constant 0 : i32
      %cond3A_243 = arith.cmpi ne, %convert_element_type3A_241, %cond3A_242 : i32
      scf.if %cond3A_243 {
        %dma_start3A_249 = arith.constant 0 : i32
        %dma_start3A_250 = arith.constant 0 : i32
        %dma_start3A_251 = tpu.memref_slice %arg14[%dma_start3A_249, %dma_start3A_250] : memref<8x64xi32, #tpu.memory_space<vmem>> -> memref<1x64xi32, #tpu.memory_space<vmem>>
        %dma_start3A_252 = tpu.memref_squeeze %dma_start3A_251 : memref<1x64xi32, #tpu.memory_space<vmem>> -> memref<64xi32, #tpu.memory_space<vmem>>
        %dma_start3A_253 = arith.constant 0 : i32
        %dma_start3A_254 = arith.constant 0 : i32
        %dma_start3A_255 = tpu.memref_slice %arg2[%dma_start3A_253, %dma_start3A_254] : memref<20000x128xf32, #tpu.memory_space<hbm>> -> memref<20000x128xf32, #tpu.memory_space<hbm>>
        tpu.enqueue_indirect_dma source(%dma_start3A_255 : memref<20000x128xf32, #tpu.memory_space<hbm>>) target(%arg17 : memref<64x128xf32, #tpu.memory_space<vmem>>) offsets(%dma_start3A_252 : memref<64xi32, #tpu.memory_space<vmem>>) semaphore(%arg21 : memref<!tpu.dma_semaphore, #tpu.memory_space<semaphore_mem>>)
        %dma_start3A_256 = arith.constant 0 : i32
        %dma_start3A_257 = arith.constant 0 : i32
        %dma_start3A_258 = tpu.memref_slice %arg15[%dma_start3A_256, %dma_start3A_257] : memref<8x64xi32, #tpu.memory_space<vmem>> -> memref<1x64xi32, #tpu.memory_space<vmem>>
        %dma_start3A_259 = tpu.memref_squeeze %dma_start3A_258 : memref<1x64xi32, #tpu.memory_space<vmem>> -> memref<64xi32, #tpu.memory_space<vmem>>
        %dma_start3A_260 = arith.constant 0 : i32
        %dma_start3A_261 = arith.constant 0 : i32
        %dma_start3A_262 = tpu.memref_slice %arg7[%dma_start3A_260, %dma_start3A_261] : memref<64x128xf32, #tpu.memory_space<hbm>> -> memref<64x128xf32, #tpu.memory_space<hbm>>
        tpu.enqueue_indirect_dma source(%dma_start3A_262 : memref<64x128xf32, #tpu.memory_space<hbm>>) target(%arg19 : memref<64x128xf32, #tpu.memory_space<vmem>>) offsets(%dma_start3A_259 : memref<64xi32, #tpu.memory_space<vmem>>) semaphore(%arg25 : memref<!tpu.dma_semaphore, #tpu.memory_space<semaphore_mem>>)
        %dma_wait3A_263 = arith.constant 0 : i32
        %dma_wait3A_264 = arith.constant 0 : i32
        %dma_wait3A_265 = tpu.memref_slice %arg14[%dma_wait3A_263, %dma_wait3A_264] : memref<8x64xi32, #tpu.memory_space<vmem>> -> memref<1x64xi32, #tpu.memory_space<vmem>>
        %dma_wait3A_266 = tpu.memref_squeeze %dma_wait3A_265 : memref<1x64xi32, #tpu.memory_space<vmem>> -> memref<64xi32, #tpu.memory_space<vmem>>
        %dma_wait3A_267 = arith.constant 0 : i32
        %dma_wait3A_268 = arith.constant 0 : i32
        %dma_wait3A_269 = tpu.memref_slice %arg2[%dma_wait3A_267, %dma_wait3A_268] : memref<20000x128xf32, #tpu.memory_space<hbm>> -> memref<20000x128xf32, #tpu.memory_space<hbm>>
        tpu.wait_indirect_dma semaphore(%arg21 : memref<!tpu.dma_semaphore, #tpu.memory_space<semaphore_mem>>) src(%dma_wait3A_269 : memref<20000x128xf32, #tpu.memory_space<hbm>>) dst(%arg17 : memref<64x128xf32, #tpu.memory_space<vmem>>)
        %dma_start3A_270 = arith.constant 0 : i32
        %dma_start3A_271 = arith.constant 0 : i32
        %dma_start3A_272 = tpu.memref_slice %arg13[%dma_start3A_270, %dma_start3A_271] : memref<8x64xi32, #tpu.memory_space<vmem>> -> memref<1x64xi32, #tpu.memory_space<vmem>>
        %dma_start3A_273 = tpu.memref_squeeze %dma_start3A_272 : memref<1x64xi32, #tpu.memory_space<vmem>> -> memref<64xi32, #tpu.memory_space<vmem>>
        %dma_start3A_274 = arith.constant 0 : i32
        %dma_start3A_275 = arith.constant 0 : i32
        %dma_start3A_276 = tpu.memref_slice %arg11[%dma_start3A_274, %dma_start3A_275] : memref<10112x128xf32, #tpu.memory_space<vmem_shared>> -> memref<10112x128xf32, #tpu.memory_space<vmem_shared>>
        tpu.enqueue_indirect_dma source(%arg17 : memref<64x128xf32, #tpu.memory_space<vmem>>) target(%dma_start3A_276 : memref<10112x128xf32, #tpu.memory_space<vmem_shared>>) offsets(%dma_start3A_273 : memref<64xi32, #tpu.memory_space<vmem>>) semaphore(%arg23 : memref<!tpu.dma_semaphore, #tpu.memory_space<semaphore_mem>>) {add = true}
        %dma_start3A_277 = arith.constant 1 : i32
        %dma_start3A_278 = arith.constant 0 : i32
        %dma_start3A_279 = tpu.memref_slice %arg14[%dma_start3A_277, %dma_start3A_278] : memref<8x64xi32, #tpu.memory_space<vmem>> -> memref<1x64xi32, #tpu.memory_space<vmem>>
        %dma_start3A_280 = tpu.memref_squeeze %dma_start3A_279 : memref<1x64xi32, #tpu.memory_space<vmem>> -> memref<64xi32, #tpu.memory_space<vmem>>
        %dma_start3A_281 = arith.constant 0 : i32
        %dma_start3A_282 = arith.constant 0 : i32
        %dma_start3A_283 = tpu.memref_slice %arg2[%dma_start3A_281, %dma_start3A_282] : memref<20000x128xf32, #tpu.memory_space<hbm>> -> memref<20000x128xf32, #tpu.memory_space<hbm>>
        tpu.enqueue_indirect_dma source(%dma_start3A_283 : memref<20000x128xf32, #tpu.memory_space<hbm>>) target(%arg18 : memref<64x128xf32, #tpu.memory_space<vmem>>) offsets(%dma_start3A_280 : memref<64xi32, #tpu.memory_space<vmem>>) semaphore(%arg22 : memref<!tpu.dma_semaphore, #tpu.memory_space<semaphore_mem>>)
        %dma_wait3A_284 = arith.constant 0 : i32
        %dma_wait3A_285 = arith.constant 0 : i32
        %dma_wait3A_286 = tpu.memref_slice %arg15[%dma_wait3A_284, %dma_wait3A_285] : memref<8x64xi32, #tpu.memory_space<vmem>> -> memref<1x64xi32, #tpu.memory_space<vmem>>
        %dma_wait3A_287 = tpu.memref_squeeze %dma_wait3A_286 : memref<1x64xi32, #tpu.memory_space<vmem>> -> memref<64xi32, #tpu.memory_space<vmem>>
        %dma_wait3A_288 = arith.constant 0 : i32
        %dma_wait3A_289 = arith.constant 0 : i32
        %dma_wait3A_290 = tpu.memref_slice %arg7[%dma_wait3A_288, %dma_wait3A_289] : memref<64x128xf32, #tpu.memory_space<hbm>> -> memref<64x128xf32, #tpu.memory_space<hbm>>
        tpu.wait_indirect_dma semaphore(%arg25 : memref<!tpu.dma_semaphore, #tpu.memory_space<semaphore_mem>>) src(%dma_wait3A_290 : memref<64x128xf32, #tpu.memory_space<hbm>>) dst(%arg19 : memref<64x128xf32, #tpu.memory_space<vmem>>)
        %dma_start3A_291 = arith.constant 0 : i32
        %dma_start3A_292 = arith.constant 0 : i32
        %dma_start3A_293 = tpu.memref_slice %arg16[%dma_start3A_291, %dma_start3A_292] : memref<8x64xi32, #tpu.memory_space<vmem>> -> memref<1x64xi32, #tpu.memory_space<vmem>>
        %dma_start3A_294 = tpu.memref_squeeze %dma_start3A_293 : memref<1x64xi32, #tpu.memory_space<vmem>> -> memref<64xi32, #tpu.memory_space<vmem>>
        %dma_start3A_295 = arith.constant 0 : i32
        %dma_start3A_296 = arith.constant 0 : i32
        %dma_start3A_297 = tpu.memref_slice %arg12[%dma_start3A_295, %dma_start3A_296] : memref<1280x128xf32, #tpu.memory_space<vmem_shared>> -> memref<1280x128xf32, #tpu.memory_space<vmem_shared>>
        tpu.enqueue_indirect_dma source(%arg19 : memref<64x128xf32, #tpu.memory_space<vmem>>) target(%dma_start3A_297 : memref<1280x128xf32, #tpu.memory_space<vmem_shared>>) offsets(%dma_start3A_294 : memref<64xi32, #tpu.memory_space<vmem>>) semaphore(%arg27 : memref<!tpu.dma_semaphore, #tpu.memory_space<semaphore_mem>>) {add = true}
        %dma_start3A_298 = arith.constant 1 : i32
        %dma_start3A_299 = arith.constant 0 : i32
        %dma_start3A_300 = tpu.memref_slice %arg15[%dma_start3A_298, %dma_start3A_299] : memref<8x64xi32, #tpu.memory_space<vmem>> -> memref<1x64xi32, #tpu.memory_space<vmem>>
        %dma_start3A_301 = tpu.memref_squeeze %dma_start3A_300 : memref<1x64xi32, #tpu.memory_space<vmem>> -> memref<64xi32, #tpu.memory_space<vmem>>
        %dma_start3A_302 = arith.constant 0 : i32
        %dma_start3A_303 = arith.constant 0 : i32
        %dma_start3A_304 = tpu.memref_slice %arg7[%dma_start3A_302, %dma_start3A_303] : memref<64x128xf32, #tpu.memory_space<hbm>> -> memref<64x128xf32, #tpu.memory_space<hbm>>
        tpu.enqueue_indirect_dma source(%dma_start3A_304 : memref<64x128xf32, #tpu.memory_space<hbm>>) target(%arg20 : memref<64x128xf32, #tpu.memory_space<vmem>>) offsets(%dma_start3A_301 : memref<64xi32, #tpu.memory_space<vmem>>) semaphore(%arg26 : memref<!tpu.dma_semaphore, #tpu.memory_space<semaphore_mem>>)
        %dma_wait3A_305 = arith.constant 1 : i32
        %dma_wait3A_306 = arith.constant 0 : i32
        %dma_wait3A_307 = tpu.memref_slice %arg14[%dma_wait3A_305, %dma_wait3A_306] : memref<8x64xi32, #tpu.memory_space<vmem>> -> memref<1x64xi32, #tpu.memory_space<vmem>>
        %dma_wait3A_308 = tpu.memref_squeeze %dma_wait3A_307 : memref<1x64xi32, #tpu.memory_space<vmem>> -> memref<64xi32, #tpu.memory_space<vmem>>
        %dma_wait3A_309 = arith.constant 0 : i32
        %dma_wait3A_310 = arith.constant 0 : i32
        %dma_wait3A_311 = tpu.memref_slice %arg2[%dma_wait3A_309, %dma_wait3A_310] : memref<20000x128xf32, #tpu.memory_space<hbm>> -> memref<20000x128xf32, #tpu.memory_space<hbm>>
        tpu.wait_indirect_dma semaphore(%arg22 : memref<!tpu.dma_semaphore, #tpu.memory_space<semaphore_mem>>) src(%dma_wait3A_311 : memref<20000x128xf32, #tpu.memory_space<hbm>>) dst(%arg18 : memref<64x128xf32, #tpu.memory_space<vmem>>)
        %dma_start3A_312 = arith.constant 1 : i32
        %dma_start3A_313 = arith.constant 0 : i32
        %dma_start3A_314 = tpu.memref_slice %arg13[%dma_start3A_312, %dma_start3A_313] : memref<8x64xi32, #tpu.memory_space<vmem>> -> memref<1x64xi32, #tpu.memory_space<vmem>>
        %dma_start3A_315 = tpu.memref_squeeze %dma_start3A_314 : memref<1x64xi32, #tpu.memory_space<vmem>> -> memref<64xi32, #tpu.memory_space<vmem>>
        %dma_start3A_316 = arith.constant 0 : i32
        %dma_start3A_317 = arith.constant 0 : i32
        %dma_start3A_318 = tpu.memref_slice %arg11[%dma_start3A_316, %dma_start3A_317] : memref<10112x128xf32, #tpu.memory_space<vmem_shared>> -> memref<10112x128xf32, #tpu.memory_space<vmem_shared>>
        tpu.enqueue_indirect_dma source(%arg18 : memref<64x128xf32, #tpu.memory_space<vmem>>) target(%dma_start3A_318 : memref<10112x128xf32, #tpu.memory_space<vmem_shared>>) offsets(%dma_start3A_315 : memref<64xi32, #tpu.memory_space<vmem>>) semaphore(%arg24 : memref<!tpu.dma_semaphore, #tpu.memory_space<semaphore_mem>>) {add = true}
        %dma_wait3A_319 = arith.constant 0 : i32
        %dma_wait3A_320 = arith.constant 0 : i32
        %dma_wait3A_321 = tpu.memref_slice %arg13[%dma_wait3A_319, %dma_wait3A_320] : memref<8x64xi32, #tpu.memory_space<vmem>> -> memref<1x64xi32, #tpu.memory_space<vmem>>
        %dma_wait3A_322 = tpu.memref_squeeze %dma_wait3A_321 : memref<1x64xi32, #tpu.memory_space<vmem>> -> memref<64xi32, #tpu.memory_space<vmem>>
        %dma_wait3A_323 = arith.constant 0 : i32
        %dma_wait3A_324 = arith.constant 0 : i32
        %dma_wait3A_325 = tpu.memref_slice %arg11[%dma_wait3A_323, %dma_wait3A_324] : memref<10112x128xf32, #tpu.memory_space<vmem_shared>> -> memref<10112x128xf32, #tpu.memory_space<vmem_shared>>
        tpu.wait_indirect_dma semaphore(%arg23 : memref<!tpu.dma_semaphore, #tpu.memory_space<semaphore_mem>>) src(%arg17 : memref<64x128xf32, #tpu.memory_space<vmem>>) dst(%dma_wait3A_325 : memref<10112x128xf32, #tpu.memory_space<vmem_shared>>)
        %dma_start3A_326 = arith.constant 2 : i32
        %dma_start3A_327 = arith.constant 0 : i32
        %dma_start3A_328 = tpu.memref_slice %arg14[%dma_start3A_326, %dma_start3A_327] : memref<8x64xi32, #tpu.memory_space<vmem>> -> memref<1x64xi32, #tpu.memory_space<vmem>>
        %dma_start3A_329 = tpu.memref_squeeze %dma_start3A_328 : memref<1x64xi32, #tpu.memory_space<vmem>> -> memref<64xi32, #tpu.memory_space<vmem>>
        %dma_start3A_330 = arith.constant 0 : i32
        %dma_start3A_331 = arith.constant 0 : i32
        %dma_start3A_332 = tpu.memref_slice %arg2[%dma_start3A_330, %dma_start3A_331] : memref<20000x128xf32, #tpu.memory_space<hbm>> -> memref<20000x128xf32, #tpu.memory_space<hbm>>
        tpu.enqueue_indirect_dma source(%dma_start3A_332 : memref<20000x128xf32, #tpu.memory_space<hbm>>) target(%arg17 : memref<64x128xf32, #tpu.memory_space<vmem>>) offsets(%dma_start3A_329 : memref<64xi32, #tpu.memory_space<vmem>>) semaphore(%arg21 : memref<!tpu.dma_semaphore, #tpu.memory_space<semaphore_mem>>)
        %dma_wait3A_333 = arith.constant 1 : i32
        %dma_wait3A_334 = arith.constant 0 : i32
        %dma_wait3A_335 = tpu.memref_slice %arg15[%dma_wait3A_333, %dma_wait3A_334] : memref<8x64xi32, #tpu.memory_space<vmem>> -> memref<1x64xi32, #tpu.memory_space<vmem>>
        %dma_wait3A_336 = tpu.memref_squeeze %dma_wait3A_335 : memref<1x64xi32, #tpu.memory_space<vmem>> -> memref<64xi32, #tpu.memory_space<vmem>>
        %dma_wait3A_337 = arith.constant 0 : i32
        %dma_wait3A_338 = arith.constant 0 : i32
        %dma_wait3A_339 = tpu.memref_slice %arg7[%dma_wait3A_337, %dma_wait3A_338] : memref<64x128xf32, #tpu.memory_space<hbm>> -> memref<64x128xf32, #tpu.memory_space<hbm>>
        tpu.wait_indirect_dma semaphore(%arg26 : memref<!tpu.dma_semaphore, #tpu.memory_space<semaphore_mem>>) src(%dma_wait3A_339 : memref<64x128xf32, #tpu.memory_space<hbm>>) dst(%arg20 : memref<64x128xf32, #tpu.memory_space<vmem>>)
        %dma_start3A_340 = arith.constant 1 : i32
        %dma_start3A_341 = arith.constant 0 : i32
        %dma_start3A_342 = tpu.memref_slice %arg16[%dma_start3A_340, %dma_start3A_341] : memref<8x64xi32, #tpu.memory_space<vmem>> -> memref<1x64xi32, #tpu.memory_space<vmem>>
        %dma_start3A_343 = tpu.memref_squeeze %dma_start3A_342 : memref<1x64xi32, #tpu.memory_space<vmem>> -> memref<64xi32, #tpu.memory_space<vmem>>
        %dma_start3A_344 = arith.constant 0 : i32
        %dma_start3A_345 = arith.constant 0 : i32
        %dma_start3A_346 = tpu.memref_slice %arg12[%dma_start3A_344, %dma_start3A_345] : memref<1280x128xf32, #tpu.memory_space<vmem_shared>> -> memref<1280x128xf32, #tpu.memory_space<vmem_shared>>
        tpu.enqueue_indirect_dma source(%arg20 : memref<64x128xf32, #tpu.memory_space<vmem>>) target(%dma_start3A_346 : memref<1280x128xf32, #tpu.memory_space<vmem_shared>>) offsets(%dma_start3A_343 : memref<64xi32, #tpu.memory_space<vmem>>) semaphore(%arg28 : memref<!tpu.dma_semaphore, #tpu.memory_space<semaphore_mem>>) {add = true}
        %dma_wait3A_347 = arith.constant 0 : i32
        %dma_wait3A_348 = arith.constant 0 : i32
        %dma_wait3A_349 = tpu.memref_slice %arg16[%dma_wait3A_347, %dma_wait3A_348] : memref<8x64xi32, #tpu.memory_space<vmem>> -> memref<1x64xi32, #tpu.memory_space<vmem>>
        %dma_wait3A_350 = tpu.memref_squeeze %dma_wait3A_349 : memref<1x64xi32, #tpu.memory_space<vmem>> -> memref<64xi32, #tpu.memory_space<vmem>>
        %dma_wait3A_351 = arith.constant 0 : i32
        %dma_wait3A_352 = arith.constant 0 : i32
        %dma_wait3A_353 = tpu.memref_slice %arg12[%dma_wait3A_351, %dma_wait3A_352] : memref<1280x128xf32, #tpu.memory_space<vmem_shared>> -> memref<1280x128xf32, #tpu.memory_space<vmem_shared>>
        tpu.wait_indirect_dma semaphore(%arg27 : memref<!tpu.dma_semaphore, #tpu.memory_space<semaphore_mem>>) src(%arg19 : memref<64x128xf32, #tpu.memory_space<vmem>>) dst(%dma_wait3A_353 : memref<1280x128xf32, #tpu.memory_space<vmem_shared>>)
        %dma_start3A_354 = arith.constant 2 : i32
        %dma_start3A_355 = arith.constant 0 : i32
        %dma_start3A_356 = tpu.memref_slice %arg15[%dma_start3A_354, %dma_start3A_355] : memref<8x64xi32, #tpu.memory_space<vmem>> -> memref<1x64xi32, #tpu.memory_space<vmem>>
        %dma_start3A_357 = tpu.memref_squeeze %dma_start3A_356 : memref<1x64xi32, #tpu.memory_space<vmem>> -> memref<64xi32, #tpu.memory_space<vmem>>
        %dma_start3A_358 = arith.constant 0 : i32
        %dma_start3A_359 = arith.constant 0 : i32
        %dma_start3A_360 = tpu.memref_slice %arg7[%dma_start3A_358, %dma_start3A_359] : memref<64x128xf32, #tpu.memory_space<hbm>> -> memref<64x128xf32, #tpu.memory_space<hbm>>
        tpu.enqueue_indirect_dma source(%dma_start3A_360 : memref<64x128xf32, #tpu.memory_space<hbm>>) target(%arg19 : memref<64x128xf32, #tpu.memory_space<vmem>>) offsets(%dma_start3A_357 : memref<64xi32, #tpu.memory_space<vmem>>) semaphore(%arg25 : memref<!tpu.dma_semaphore, #tpu.memory_space<semaphore_mem>>)
        %dma_wait3A_361 = arith.constant 2 : i32
        %dma_wait3A_362 = arith.constant 0 : i32
        %dma_wait3A_363 = tpu.memref_slice %arg14[%dma_wait3A_361, %dma_wait3A_362] : memref<8x64xi32, #tpu.memory_space<vmem>> -> memref<1x64xi32, #tpu.memory_space<vmem>>
        %dma_wait3A_364 = tpu.memref_squeeze %dma_wait3A_363 : memref<1x64xi32, #tpu.memory_space<vmem>> -> memref<64xi32, #tpu.memory_space<vmem>>
        %dma_wait3A_365 = arith.constant 0 : i32
        %dma_wait3A_366 = arith.constant 0 : i32
        %dma_wait3A_367 = tpu.memref_slice %arg2[%dma_wait3A_365, %dma_wait3A_366] : memref<20000x128xf32, #tpu.memory_space<hbm>> -> memref<20000x128xf32, #tpu.memory_space<hbm>>
        tpu.wait_indirect_dma semaphore(%arg21 : memref<!tpu.dma_semaphore, #tpu.memory_space<semaphore_mem>>) src(%dma_wait3A_367 : memref<20000x128xf32, #tpu.memory_space<hbm>>) dst(%arg17 : memref<64x128xf32, #tpu.memory_space<vmem>>)
        %dma_start3A_368 = arith.constant 2 : i32
        %dma_start3A_369 = arith.constant 0 : i32
        %dma_start3A_370 = tpu.memref_slice %arg13[%dma_start3A_368, %dma_start3A_369] : memref<8x64xi32, #tpu.memory_space<vmem>> -> memref<1x64xi32, #tpu.memory_space<vmem>>
        %dma_start3A_371 = tpu.memref_squeeze %dma_start3A_370 : memref<1x64xi32, #tpu.memory_space<vmem>> -> memref<64xi32, #tpu.memory_space<vmem>>
        %dma_start3A_372 = arith.constant 0 : i32
        %dma_start3A_373 = arith.constant 0 : i32
        %dma_start3A_374 = tpu.memref_slice %arg11[%dma_start3A_372, %dma_start3A_373] : memref<10112x128xf32, #tpu.memory_space<vmem_shared>> -> memref<10112x128xf32, #tpu.memory_space<vmem_shared>>
        tpu.enqueue_indirect_dma source(%arg17 : memref<64x128xf32, #tpu.memory_space<vmem>>) target(%dma_start3A_374 : memref<10112x128xf32, #tpu.memory_space<vmem_shared>>) offsets(%dma_start3A_371 : memref<64xi32, #tpu.memory_space<vmem>>) semaphore(%arg23 : memref<!tpu.dma_semaphore, #tpu.memory_space<semaphore_mem>>) {add = true}
        %dma_wait3A_375 = arith.constant 1 : i32
        %dma_wait3A_376 = arith.constant 0 : i32
        %dma_wait3A_377 = tpu.memref_slice %arg13[%dma_wait3A_375, %dma_wait3A_376] : memref<8x64xi32, #tpu.memory_space<vmem>> -> memref<1x64xi32, #tpu.memory_space<vmem>>
        %dma_wait3A_378 = tpu.memref_squeeze %dma_wait3A_377 : memref<1x64xi32, #tpu.memory_space<vmem>> -> memref<64xi32, #tpu.memory_space<vmem>>
        %dma_wait3A_379 = arith.constant 0 : i32
        %dma_wait3A_380 = arith.constant 0 : i32
        %dma_wait3A_381 = tpu.memref_slice %arg11[%dma_wait3A_379, %dma_wait3A_380] : memref<10112x128xf32, #tpu.memory_space<vmem_shared>> -> memref<10112x128xf32, #tpu.memory_space<vmem_shared>>
        tpu.wait_indirect_dma semaphore(%arg24 : memref<!tpu.dma_semaphore, #tpu.memory_space<semaphore_mem>>) src(%arg18 : memref<64x128xf32, #tpu.memory_space<vmem>>) dst(%dma_wait3A_381 : memref<10112x128xf32, #tpu.memory_space<vmem_shared>>)
        %dma_start3A_382 = arith.constant 3 : i32
        %dma_start3A_383 = arith.constant 0 : i32
        %dma_start3A_384 = tpu.memref_slice %arg14[%dma_start3A_382, %dma_start3A_383] : memref<8x64xi32, #tpu.memory_space<vmem>> -> memref<1x64xi32, #tpu.memory_space<vmem>>
        %dma_start3A_385 = tpu.memref_squeeze %dma_start3A_384 : memref<1x64xi32, #tpu.memory_space<vmem>> -> memref<64xi32, #tpu.memory_space<vmem>>
        %dma_start3A_386 = arith.constant 0 : i32
        %dma_start3A_387 = arith.constant 0 : i32
        %dma_start3A_388 = tpu.memref_slice %arg2[%dma_start3A_386, %dma_start3A_387] : memref<20000x128xf32, #tpu.memory_space<hbm>> -> memref<20000x128xf32, #tpu.memory_space<hbm>>
        tpu.enqueue_indirect_dma source(%dma_start3A_388 : memref<20000x128xf32, #tpu.memory_space<hbm>>) target(%arg18 : memref<64x128xf32, #tpu.memory_space<vmem>>) offsets(%dma_start3A_385 : memref<64xi32, #tpu.memory_space<vmem>>) semaphore(%arg22 : memref<!tpu.dma_semaphore, #tpu.memory_space<semaphore_mem>>)
        %dma_wait3A_389 = arith.constant 2 : i32
        %dma_wait3A_390 = arith.constant 0 : i32
        %dma_wait3A_391 = tpu.memref_slice %arg15[%dma_wait3A_389, %dma_wait3A_390] : memref<8x64xi32, #tpu.memory_space<vmem>> -> memref<1x64xi32, #tpu.memory_space<vmem>>
        %dma_wait3A_392 = tpu.memref_squeeze %dma_wait3A_391 : memref<1x64xi32, #tpu.memory_space<vmem>> -> memref<64xi32, #tpu.memory_space<vmem>>
        %dma_wait3A_393 = arith.constant 0 : i32
        %dma_wait3A_394 = arith.constant 0 : i32
        %dma_wait3A_395 = tpu.memref_slice %arg7[%dma_wait3A_393, %dma_wait3A_394] : memref<64x128xf32, #tpu.memory_space<hbm>> -> memref<64x128xf32, #tpu.memory_space<hbm>>
        tpu.wait_indirect_dma semaphore(%arg25 : memref<!tpu.dma_semaphore, #tpu.memory_space<semaphore_mem>>) src(%dma_wait3A_395 : memref<64x128xf32, #tpu.memory_space<hbm>>) dst(%arg19 : memref<64x128xf32, #tpu.memory_space<vmem>>)
        %dma_start3A_396 = arith.constant 2 : i32
        %dma_start3A_397 = arith.constant 0 : i32
        %dma_start3A_398 = tpu.memref_slice %arg16[%dma_start3A_396, %dma_start3A_397] : memref<8x64xi32, #tpu.memory_space<vmem>> -> memref<1x64xi32, #tpu.memory_space<vmem>>
        %dma_start3A_399 = tpu.memref_squeeze %dma_start3A_398 : memref<1x64xi32, #tpu.memory_space<vmem>> -> memref<64xi32, #tpu.memory_space<vmem>>
        %dma_start3A_400 = arith.constant 0 : i32
        %dma_start3A_401 = arith.constant 0 : i32
        %dma_start3A_402 = tpu.memref_slice %arg12[%dma_start3A_400, %dma_start3A_401] : memref<1280x128xf32, #tpu.memory_space<vmem_shared>> -> memref<1280x128xf32, #tpu.memory_space<vmem_shared>>
        tpu.enqueue_indirect_dma source(%arg19 : memref<64x128xf32, #tpu.memory_space<vmem>>) target(%dma_start3A_402 : memref<1280x128xf32, #tpu.memory_space<vmem_shared>>) offsets(%dma_start3A_399 : memref<64xi32, #tpu.memory_space<vmem>>) semaphore(%arg27 : memref<!tpu.dma_semaphore, #tpu.memory_space<semaphore_mem>>) {add = true}
        %dma_wait3A_403 = arith.constant 1 : i32
        %dma_wait3A_404 = arith.constant 0 : i32
        %dma_wait3A_405 = tpu.memref_slice %arg16[%dma_wait3A_403, %dma_wait3A_404] : memref<8x64xi32, #tpu.memory_space<vmem>> -> memref<1x64xi32, #tpu.memory_space<vmem>>
        %dma_wait3A_406 = tpu.memref_squeeze %dma_wait3A_405 : memref<1x64xi32, #tpu.memory_space<vmem>> -> memref<64xi32, #tpu.memory_space<vmem>>
        %dma_wait3A_407 = arith.constant 0 : i32
        %dma_wait3A_408 = arith.constant 0 : i32
        %dma_wait3A_409 = tpu.memref_slice %arg12[%dma_wait3A_407, %dma_wait3A_408] : memref<1280x128xf32, #tpu.memory_space<vmem_shared>> -> memref<1280x128xf32, #tpu.memory_space<vmem_shared>>
        tpu.wait_indirect_dma semaphore(%arg28 : memref<!tpu.dma_semaphore, #tpu.memory_space<semaphore_mem>>) src(%arg20 : memref<64x128xf32, #tpu.memory_space<vmem>>) dst(%dma_wait3A_409 : memref<1280x128xf32, #tpu.memory_space<vmem_shared>>)
        %dma_start3A_410 = arith.constant 3 : i32
        %dma_start3A_411 = arith.constant 0 : i32
        %dma_start3A_412 = tpu.memref_slice %arg15[%dma_start3A_410, %dma_start3A_411] : memref<8x64xi32, #tpu.memory_space<vmem>> -> memref<1x64xi32, #tpu.memory_space<vmem>>
        %dma_start3A_413 = tpu.memref_squeeze %dma_start3A_412 : memref<1x64xi32, #tpu.memory_space<vmem>> -> memref<64xi32, #tpu.memory_space<vmem>>
        %dma_start3A_414 = arith.constant 0 : i32
        %dma_start3A_415 = arith.constant 0 : i32
        %dma_start3A_416 = tpu.memref_slice %arg7[%dma_start3A_414, %dma_start3A_415] : memref<64x128xf32, #tpu.memory_space<hbm>> -> memref<64x128xf32, #tpu.memory_space<hbm>>
        tpu.enqueue_indirect_dma source(%dma_start3A_416 : memref<64x128xf32, #tpu.memory_space<hbm>>) target(%arg20 : memref<64x128xf32, #tpu.memory_space<vmem>>) offsets(%dma_start3A_413 : memref<64xi32, #tpu.memory_space<vmem>>) semaphore(%arg26 : memref<!tpu.dma_semaphore, #tpu.memory_space<semaphore_mem>>)
        %dma_wait3A_417 = arith.constant 3 : i32
        %dma_wait3A_418 = arith.constant 0 : i32
        %dma_wait3A_419 = tpu.memref_slice %arg14[%dma_wait3A_417, %dma_wait3A_418] : memref<8x64xi32, #tpu.memory_space<vmem>> -> memref<1x64xi32, #tpu.memory_space<vmem>>
        %dma_wait3A_420 = tpu.memref_squeeze %dma_wait3A_419 : memref<1x64xi32, #tpu.memory_space<vmem>> -> memref<64xi32, #tpu.memory_space<vmem>>
        %dma_wait3A_421 = arith.constant 0 : i32
        %dma_wait3A_422 = arith.constant 0 : i32
        %dma_wait3A_423 = tpu.memref_slice %arg2[%dma_wait3A_421, %dma_wait3A_422] : memref<20000x128xf32, #tpu.memory_space<hbm>> -> memref<20000x128xf32, #tpu.memory_space<hbm>>
        tpu.wait_indirect_dma semaphore(%arg22 : memref<!tpu.dma_semaphore, #tpu.memory_space<semaphore_mem>>) src(%dma_wait3A_423 : memref<20000x128xf32, #tpu.memory_space<hbm>>) dst(%arg18 : memref<64x128xf32, #tpu.memory_space<vmem>>)
        %dma_start3A_424 = arith.constant 3 : i32
        %dma_start3A_425 = arith.constant 0 : i32
        %dma_start3A_426 = tpu.memref_slice %arg13[%dma_start3A_424, %dma_start3A_425] : memref<8x64xi32, #tpu.memory_space<vmem>> -> memref<1x64xi32, #tpu.memory_space<vmem>>
        %dma_start3A_427 = tpu.memref_squeeze %dma_start3A_426 : memref<1x64xi32, #tpu.memory_space<vmem>> -> memref<64xi32, #tpu.memory_space<vmem>>
        %dma_start3A_428 = arith.constant 0 : i32
        %dma_start3A_429 = arith.constant 0 : i32
        %dma_start3A_430 = tpu.memref_slice %arg11[%dma_start3A_428, %dma_start3A_429] : memref<10112x128xf32, #tpu.memory_space<vmem_shared>> -> memref<10112x128xf32, #tpu.memory_space<vmem_shared>>
        tpu.enqueue_indirect_dma source(%arg18 : memref<64x128xf32, #tpu.memory_space<vmem>>) target(%dma_start3A_430 : memref<10112x128xf32, #tpu.memory_space<vmem_shared>>) offsets(%dma_start3A_427 : memref<64xi32, #tpu.memory_space<vmem>>) semaphore(%arg24 : memref<!tpu.dma_semaphore, #tpu.memory_space<semaphore_mem>>) {add = true}
        %dma_wait3A_431 = arith.constant 2 : i32
        %dma_wait3A_432 = arith.constant 0 : i32
        %dma_wait3A_433 = tpu.memref_slice %arg13[%dma_wait3A_431, %dma_wait3A_432] : memref<8x64xi32, #tpu.memory_space<vmem>> -> memref<1x64xi32, #tpu.memory_space<vmem>>
        %dma_wait3A_434 = tpu.memref_squeeze %dma_wait3A_433 : memref<1x64xi32, #tpu.memory_space<vmem>> -> memref<64xi32, #tpu.memory_space<vmem>>
        %dma_wait3A_435 = arith.constant 0 : i32
        %dma_wait3A_436 = arith.constant 0 : i32
        %dma_wait3A_437 = tpu.memref_slice %arg11[%dma_wait3A_435, %dma_wait3A_436] : memref<10112x128xf32, #tpu.memory_space<vmem_shared>> -> memref<10112x128xf32, #tpu.memory_space<vmem_shared>>
        tpu.wait_indirect_dma semaphore(%arg23 : memref<!tpu.dma_semaphore, #tpu.memory_space<semaphore_mem>>) src(%arg17 : memref<64x128xf32, #tpu.memory_space<vmem>>) dst(%dma_wait3A_437 : memref<10112x128xf32, #tpu.memory_space<vmem_shared>>)
        %dma_start3A_438 = arith.constant 4 : i32
        %dma_start3A_439 = arith.constant 0 : i32
        %dma_start3A_440 = tpu.memref_slice %arg14[%dma_start3A_438, %dma_start3A_439] : memref<8x64xi32, #tpu.memory_space<vmem>> -> memref<1x64xi32, #tpu.memory_space<vmem>>
        %dma_start3A_441 = tpu.memref_squeeze %dma_start3A_440 : memref<1x64xi32, #tpu.memory_space<vmem>> -> memref<64xi32, #tpu.memory_space<vmem>>
        %dma_start3A_442 = arith.constant 0 : i32
        %dma_start3A_443 = arith.constant 0 : i32
        %dma_start3A_444 = tpu.memref_slice %arg2[%dma_start3A_442, %dma_start3A_443] : memref<20000x128xf32, #tpu.memory_space<hbm>> -> memref<20000x128xf32, #tpu.memory_space<hbm>>
        tpu.enqueue_indirect_dma source(%dma_start3A_444 : memref<20000x128xf32, #tpu.memory_space<hbm>>) target(%arg17 : memref<64x128xf32, #tpu.memory_space<vmem>>) offsets(%dma_start3A_441 : memref<64xi32, #tpu.memory_space<vmem>>) semaphore(%arg21 : memref<!tpu.dma_semaphore, #tpu.memory_space<semaphore_mem>>)
        %dma_wait3A_445 = arith.constant 3 : i32
        %dma_wait3A_446 = arith.constant 0 : i32
        %dma_wait3A_447 = tpu.memref_slice %arg15[%dma_wait3A_445, %dma_wait3A_446] : memref<8x64xi32, #tpu.memory_space<vmem>> -> memref<1x64xi32, #tpu.memory_space<vmem>>
        %dma_wait3A_448 = tpu.memref_squeeze %dma_wait3A_447 : memref<1x64xi32, #tpu.memory_space<vmem>> -> memref<64xi32, #tpu.memory_space<vmem>>
        %dma_wait3A_449 = arith.constant 0 : i32
        %dma_wait3A_450 = arith.constant 0 : i32
        %dma_wait3A_451 = tpu.memref_slice %arg7[%dma_wait3A_449, %dma_wait3A_450] : memref<64x128xf32, #tpu.memory_space<hbm>> -> memref<64x128xf32, #tpu.memory_space<hbm>>
        tpu.wait_indirect_dma semaphore(%arg26 : memref<!tpu.dma_semaphore, #tpu.memory_space<semaphore_mem>>) src(%dma_wait3A_451 : memref<64x128xf32, #tpu.memory_space<hbm>>) dst(%arg20 : memref<64x128xf32, #tpu.memory_space<vmem>>)
        %dma_start3A_452 = arith.constant 3 : i32
        %dma_start3A_453 = arith.constant 0 : i32
        %dma_start3A_454 = tpu.memref_slice %arg16[%dma_start3A_452, %dma_start3A_453] : memref<8x64xi32, #tpu.memory_space<vmem>> -> memref<1x64xi32, #tpu.memory_space<vmem>>
        %dma_start3A_455 = tpu.memref_squeeze %dma_start3A_454 : memref<1x64xi32, #tpu.memory_space<vmem>> -> memref<64xi32, #tpu.memory_space<vmem>>
        %dma_start3A_456 = arith.constant 0 : i32
        %dma_start3A_457 = arith.constant 0 : i32
        %dma_start3A_458 = tpu.memref_slice %arg12[%dma_start3A_456, %dma_start3A_457] : memref<1280x128xf32, #tpu.memory_space<vmem_shared>> -> memref<1280x128xf32, #tpu.memory_space<vmem_shared>>
        tpu.enqueue_indirect_dma source(%arg20 : memref<64x128xf32, #tpu.memory_space<vmem>>) target(%dma_start3A_458 : memref<1280x128xf32, #tpu.memory_space<vmem_shared>>) offsets(%dma_start3A_455 : memref<64xi32, #tpu.memory_space<vmem>>) semaphore(%arg28 : memref<!tpu.dma_semaphore, #tpu.memory_space<semaphore_mem>>) {add = true}
        %dma_wait3A_459 = arith.constant 2 : i32
        %dma_wait3A_460 = arith.constant 0 : i32
        %dma_wait3A_461 = tpu.memref_slice %arg16[%dma_wait3A_459, %dma_wait3A_460] : memref<8x64xi32, #tpu.memory_space<vmem>> -> memref<1x64xi32, #tpu.memory_space<vmem>>
        %dma_wait3A_462 = tpu.memref_squeeze %dma_wait3A_461 : memref<1x64xi32, #tpu.memory_space<vmem>> -> memref<64xi32, #tpu.memory_space<vmem>>
        %dma_wait3A_463 = arith.constant 0 : i32
        %dma_wait3A_464 = arith.constant 0 : i32
        %dma_wait3A_465 = tpu.memref_slice %arg12[%dma_wait3A_463, %dma_wait3A_464] : memref<1280x128xf32, #tpu.memory_space<vmem_shared>> -> memref<1280x128xf32, #tpu.memory_space<vmem_shared>>
        tpu.wait_indirect_dma semaphore(%arg27 : memref<!tpu.dma_semaphore, #tpu.memory_space<semaphore_mem>>) src(%arg19 : memref<64x128xf32, #tpu.memory_space<vmem>>) dst(%dma_wait3A_465 : memref<1280x128xf32, #tpu.memory_space<vmem_shared>>)
        %dma_start3A_466 = arith.constant 4 : i32
        %dma_start3A_467 = arith.constant 0 : i32
        %dma_start3A_468 = tpu.memref_slice %arg15[%dma_start3A_466, %dma_start3A_467] : memref<8x64xi32, #tpu.memory_space<vmem>> -> memref<1x64xi32, #tpu.memory_space<vmem>>
        %dma_start3A_469 = tpu.memref_squeeze %dma_start3A_468 : memref<1x64xi32, #tpu.memory_space<vmem>> -> memref<64xi32, #tpu.memory_space<vmem>>
        %dma_start3A_470 = arith.constant 0 : i32
        %dma_start3A_471 = arith.constant 0 : i32
        %dma_start3A_472 = tpu.memref_slice %arg7[%dma_start3A_470, %dma_start3A_471] : memref<64x128xf32, #tpu.memory_space<hbm>> -> memref<64x128xf32, #tpu.memory_space<hbm>>
        tpu.enqueue_indirect_dma source(%dma_start3A_472 : memref<64x128xf32, #tpu.memory_space<hbm>>) target(%arg19 : memref<64x128xf32, #tpu.memory_space<vmem>>) offsets(%dma_start3A_469 : memref<64xi32, #tpu.memory_space<vmem>>) semaphore(%arg25 : memref<!tpu.dma_semaphore, #tpu.memory_space<semaphore_mem>>)
        %dma_wait3A_473 = arith.constant 4 : i32
        %dma_wait3A_474 = arith.constant 0 : i32
        %dma_wait3A_475 = tpu.memref_slice %arg14[%dma_wait3A_473, %dma_wait3A_474] : memref<8x64xi32, #tpu.memory_space<vmem>> -> memref<1x64xi32, #tpu.memory_space<vmem>>
        %dma_wait3A_476 = tpu.memref_squeeze %dma_wait3A_475 : memref<1x64xi32, #tpu.memory_space<vmem>> -> memref<64xi32, #tpu.memory_space<vmem>>
        %dma_wait3A_477 = arith.constant 0 : i32
        %dma_wait3A_478 = arith.constant 0 : i32
        %dma_wait3A_479 = tpu.memref_slice %arg2[%dma_wait3A_477, %dma_wait3A_478] : memref<20000x128xf32, #tpu.memory_space<hbm>> -> memref<20000x128xf32, #tpu.memory_space<hbm>>
        tpu.wait_indirect_dma semaphore(%arg21 : memref<!tpu.dma_semaphore, #tpu.memory_space<semaphore_mem>>) src(%dma_wait3A_479 : memref<20000x128xf32, #tpu.memory_space<hbm>>) dst(%arg17 : memref<64x128xf32, #tpu.memory_space<vmem>>)
        %dma_start3A_480 = arith.constant 4 : i32
        %dma_start3A_481 = arith.constant 0 : i32
        %dma_start3A_482 = tpu.memref_slice %arg13[%dma_start3A_480, %dma_start3A_481] : memref<8x64xi32, #tpu.memory_space<vmem>> -> memref<1x64xi32, #tpu.memory_space<vmem>>
        %dma_start3A_483 = tpu.memref_squeeze %dma_start3A_482 : memref<1x64xi32, #tpu.memory_space<vmem>> -> memref<64xi32, #tpu.memory_space<vmem>>
        %dma_start3A_484 = arith.constant 0 : i32
        %dma_start3A_485 = arith.constant 0 : i32
        %dma_start3A_486 = tpu.memref_slice %arg11[%dma_start3A_484, %dma_start3A_485] : memref<10112x128xf32, #tpu.memory_space<vmem_shared>> -> memref<10112x128xf32, #tpu.memory_space<vmem_shared>>
        tpu.enqueue_indirect_dma source(%arg17 : memref<64x128xf32, #tpu.memory_space<vmem>>) target(%dma_start3A_486 : memref<10112x128xf32, #tpu.memory_space<vmem_shared>>) offsets(%dma_start3A_483 : memref<64xi32, #tpu.memory_space<vmem>>) semaphore(%arg23 : memref<!tpu.dma_semaphore, #tpu.memory_space<semaphore_mem>>) {add = true}
        %dma_wait3A_487 = arith.constant 3 : i32
        %dma_wait3A_488 = arith.constant 0 : i32
        %dma_wait3A_489 = tpu.memref_slice %arg13[%dma_wait3A_487, %dma_wait3A_488] : memref<8x64xi32, #tpu.memory_space<vmem>> -> memref<1x64xi32, #tpu.memory_space<vmem>>
        %dma_wait3A_490 = tpu.memref_squeeze %dma_wait3A_489 : memref<1x64xi32, #tpu.memory_space<vmem>> -> memref<64xi32, #tpu.memory_space<vmem>>
        %dma_wait3A_491 = arith.constant 0 : i32
        %dma_wait3A_492 = arith.constant 0 : i32
        %dma_wait3A_493 = tpu.memref_slice %arg11[%dma_wait3A_491, %dma_wait3A_492] : memref<10112x128xf32, #tpu.memory_space<vmem_shared>> -> memref<10112x128xf32, #tpu.memory_space<vmem_shared>>
        tpu.wait_indirect_dma semaphore(%arg24 : memref<!tpu.dma_semaphore, #tpu.memory_space<semaphore_mem>>) src(%arg18 : memref<64x128xf32, #tpu.memory_space<vmem>>) dst(%dma_wait3A_493 : memref<10112x128xf32, #tpu.memory_space<vmem_shared>>)
        %dma_start3A_494 = arith.constant 5 : i32
        %dma_start3A_495 = arith.constant 0 : i32
        %dma_start3A_496 = tpu.memref_slice %arg14[%dma_start3A_494, %dma_start3A_495] : memref<8x64xi32, #tpu.memory_space<vmem>> -> memref<1x64xi32, #tpu.memory_space<vmem>>
        %dma_start3A_497 = tpu.memref_squeeze %dma_start3A_496 : memref<1x64xi32, #tpu.memory_space<vmem>> -> memref<64xi32, #tpu.memory_space<vmem>>
        %dma_start3A_498 = arith.constant 0 : i32
        %dma_start3A_499 = arith.constant 0 : i32
        %dma_start3A_500 = tpu.memref_slice %arg2[%dma_start3A_498, %dma_start3A_499] : memref<20000x128xf32, #tpu.memory_space<hbm>> -> memref<20000x128xf32, #tpu.memory_space<hbm>>
        tpu.enqueue_indirect_dma source(%dma_start3A_500 : memref<20000x128xf32, #tpu.memory_space<hbm>>) target(%arg18 : memref<64x128xf32, #tpu.memory_space<vmem>>) offsets(%dma_start3A_497 : memref<64xi32, #tpu.memory_space<vmem>>) semaphore(%arg22 : memref<!tpu.dma_semaphore, #tpu.memory_space<semaphore_mem>>)
        %dma_wait3A_501 = arith.constant 4 : i32
        %dma_wait3A_502 = arith.constant 0 : i32
        %dma_wait3A_503 = tpu.memref_slice %arg15[%dma_wait3A_501, %dma_wait3A_502] : memref<8x64xi32, #tpu.memory_space<vmem>> -> memref<1x64xi32, #tpu.memory_space<vmem>>
        %dma_wait3A_504 = tpu.memref_squeeze %dma_wait3A_503 : memref<1x64xi32, #tpu.memory_space<vmem>> -> memref<64xi32, #tpu.memory_space<vmem>>
        %dma_wait3A_505 = arith.constant 0 : i32
        %dma_wait3A_506 = arith.constant 0 : i32
        %dma_wait3A_507 = tpu.memref_slice %arg7[%dma_wait3A_505, %dma_wait3A_506] : memref<64x128xf32, #tpu.memory_space<hbm>> -> memref<64x128xf32, #tpu.memory_space<hbm>>
        tpu.wait_indirect_dma semaphore(%arg25 : memref<!tpu.dma_semaphore, #tpu.memory_space<semaphore_mem>>) src(%dma_wait3A_507 : memref<64x128xf32, #tpu.memory_space<hbm>>) dst(%arg19 : memref<64x128xf32, #tpu.memory_space<vmem>>)
        %dma_start3A_508 = arith.constant 4 : i32
        %dma_start3A_509 = arith.constant 0 : i32
        %dma_start3A_510 = tpu.memref_slice %arg16[%dma_start3A_508, %dma_start3A_509] : memref<8x64xi32, #tpu.memory_space<vmem>> -> memref<1x64xi32, #tpu.memory_space<vmem>>
        %dma_start3A_511 = tpu.memref_squeeze %dma_start3A_510 : memref<1x64xi32, #tpu.memory_space<vmem>> -> memref<64xi32, #tpu.memory_space<vmem>>
        %dma_start3A_512 = arith.constant 0 : i32
        %dma_start3A_513 = arith.constant 0 : i32
        %dma_start3A_514 = tpu.memref_slice %arg12[%dma_start3A_512, %dma_start3A_513] : memref<1280x128xf32, #tpu.memory_space<vmem_shared>> -> memref<1280x128xf32, #tpu.memory_space<vmem_shared>>
        tpu.enqueue_indirect_dma source(%arg19 : memref<64x128xf32, #tpu.memory_space<vmem>>) target(%dma_start3A_514 : memref<1280x128xf32, #tpu.memory_space<vmem_shared>>) offsets(%dma_start3A_511 : memref<64xi32, #tpu.memory_space<vmem>>) semaphore(%arg27 : memref<!tpu.dma_semaphore, #tpu.memory_space<semaphore_mem>>) {add = true}
        %dma_wait3A_515 = arith.constant 3 : i32
        %dma_wait3A_516 = arith.constant 0 : i32
        %dma_wait3A_517 = tpu.memref_slice %arg16[%dma_wait3A_515, %dma_wait3A_516] : memref<8x64xi32, #tpu.memory_space<vmem>> -> memref<1x64xi32, #tpu.memory_space<vmem>>
        %dma_wait3A_518 = tpu.memref_squeeze %dma_wait3A_517 : memref<1x64xi32, #tpu.memory_space<vmem>> -> memref<64xi32, #tpu.memory_space<vmem>>
        %dma_wait3A_519 = arith.constant 0 : i32
        %dma_wait3A_520 = arith.constant 0 : i32
        %dma_wait3A_521 = tpu.memref_slice %arg12[%dma_wait3A_519, %dma_wait3A_520] : memref<1280x128xf32, #tpu.memory_space<vmem_shared>> -> memref<1280x128xf32, #tpu.memory_space<vmem_shared>>
        tpu.wait_indirect_dma semaphore(%arg28 : memref<!tpu.dma_semaphore, #tpu.memory_space<semaphore_mem>>) src(%arg20 : memref<64x128xf32, #tpu.memory_space<vmem>>) dst(%dma_wait3A_521 : memref<1280x128xf32, #tpu.memory_space<vmem_shared>>)
        %dma_start3A_522 = arith.constant 5 : i32
        %dma_start3A_523 = arith.constant 0 : i32
        %dma_start3A_524 = tpu.memref_slice %arg15[%dma_start3A_522, %dma_start3A_523] : memref<8x64xi32, #tpu.memory_space<vmem>> -> memref<1x64xi32, #tpu.memory_space<vmem>>
        %dma_start3A_525 = tpu.memref_squeeze %dma_start3A_524 : memref<1x64xi32, #tpu.memory_space<vmem>> -> memref<64xi32, #tpu.memory_space<vmem>>
        %dma_start3A_526 = arith.constant 0 : i32
        %dma_start3A_527 = arith.constant 0 : i32
        %dma_start3A_528 = tpu.memref_slice %arg7[%dma_start3A_526, %dma_start3A_527] : memref<64x128xf32, #tpu.memory_space<hbm>> -> memref<64x128xf32, #tpu.memory_space<hbm>>
        tpu.enqueue_indirect_dma source(%dma_start3A_528 : memref<64x128xf32, #tpu.memory_space<hbm>>) target(%arg20 : memref<64x128xf32, #tpu.memory_space<vmem>>) offsets(%dma_start3A_525 : memref<64xi32, #tpu.memory_space<vmem>>) semaphore(%arg26 : memref<!tpu.dma_semaphore, #tpu.memory_space<semaphore_mem>>)
        %dma_wait3A_529 = arith.constant 5 : i32
        %dma_wait3A_530 = arith.constant 0 : i32
        %dma_wait3A_531 = tpu.memref_slice %arg14[%dma_wait3A_529, %dma_wait3A_530] : memref<8x64xi32, #tpu.memory_space<vmem>> -> memref<1x64xi32, #tpu.memory_space<vmem>>
        %dma_wait3A_532 = tpu.memref_squeeze %dma_wait3A_531 : memref<1x64xi32, #tpu.memory_space<vmem>> -> memref<64xi32, #tpu.memory_space<vmem>>
        %dma_wait3A_533 = arith.constant 0 : i32
        %dma_wait3A_534 = arith.constant 0 : i32
        %dma_wait3A_535 = tpu.memref_slice %arg2[%dma_wait3A_533, %dma_wait3A_534] : memref<20000x128xf32, #tpu.memory_space<hbm>> -> memref<20000x128xf32, #tpu.memory_space<hbm>>
        tpu.wait_indirect_dma semaphore(%arg22 : memref<!tpu.dma_semaphore, #tpu.memory_space<semaphore_mem>>) src(%dma_wait3A_535 : memref<20000x128xf32, #tpu.memory_space<hbm>>) dst(%arg18 : memref<64x128xf32, #tpu.memory_space<vmem>>)
        %dma_start3A_536 = arith.constant 5 : i32
        %dma_start3A_537 = arith.constant 0 : i32
        %dma_start3A_538 = tpu.memref_slice %arg13[%dma_start3A_536, %dma_start3A_537] : memref<8x64xi32, #tpu.memory_space<vmem>> -> memref<1x64xi32, #tpu.memory_space<vmem>>
        %dma_start3A_539 = tpu.memref_squeeze %dma_start3A_538 : memref<1x64xi32, #tpu.memory_space<vmem>> -> memref<64xi32, #tpu.memory_space<vmem>>
        %dma_start3A_540 = arith.constant 0 : i32
        %dma_start3A_541 = arith.constant 0 : i32
        %dma_start3A_542 = tpu.memref_slice %arg11[%dma_start3A_540, %dma_start3A_541] : memref<10112x128xf32, #tpu.memory_space<vmem_shared>> -> memref<10112x128xf32, #tpu.memory_space<vmem_shared>>
        tpu.enqueue_indirect_dma source(%arg18 : memref<64x128xf32, #tpu.memory_space<vmem>>) target(%dma_start3A_542 : memref<10112x128xf32, #tpu.memory_space<vmem_shared>>) offsets(%dma_start3A_539 : memref<64xi32, #tpu.memory_space<vmem>>) semaphore(%arg24 : memref<!tpu.dma_semaphore, #tpu.memory_space<semaphore_mem>>) {add = true}
        %dma_wait3A_543 = arith.constant 4 : i32
        %dma_wait3A_544 = arith.constant 0 : i32
        %dma_wait3A_545 = tpu.memref_slice %arg13[%dma_wait3A_543, %dma_wait3A_544] : memref<8x64xi32, #tpu.memory_space<vmem>> -> memref<1x64xi32, #tpu.memory_space<vmem>>
        %dma_wait3A_546 = tpu.memref_squeeze %dma_wait3A_545 : memref<1x64xi32, #tpu.memory_space<vmem>> -> memref<64xi32, #tpu.memory_space<vmem>>
        %dma_wait3A_547 = arith.constant 0 : i32
        %dma_wait3A_548 = arith.constant 0 : i32
        %dma_wait3A_549 = tpu.memref_slice %arg11[%dma_wait3A_547, %dma_wait3A_548] : memref<10112x128xf32, #tpu.memory_space<vmem_shared>> -> memref<10112x128xf32, #tpu.memory_space<vmem_shared>>
        tpu.wait_indirect_dma semaphore(%arg23 : memref<!tpu.dma_semaphore, #tpu.memory_space<semaphore_mem>>) src(%arg17 : memref<64x128xf32, #tpu.memory_space<vmem>>) dst(%dma_wait3A_549 : memref<10112x128xf32, #tpu.memory_space<vmem_shared>>)
        %dma_start3A_550 = arith.constant 6 : i32
        %dma_start3A_551 = arith.constant 0 : i32
        %dma_start3A_552 = tpu.memref_slice %arg14[%dma_start3A_550, %dma_start3A_551] : memref<8x64xi32, #tpu.memory_space<vmem>> -> memref<1x64xi32, #tpu.memory_space<vmem>>
        %dma_start3A_553 = tpu.memref_squeeze %dma_start3A_552 : memref<1x64xi32, #tpu.memory_space<vmem>> -> memref<64xi32, #tpu.memory_space<vmem>>
        %dma_start3A_554 = arith.constant 0 : i32
        %dma_start3A_555 = arith.constant 0 : i32
        %dma_start3A_556 = tpu.memref_slice %arg2[%dma_start3A_554, %dma_start3A_555] : memref<20000x128xf32, #tpu.memory_space<hbm>> -> memref<20000x128xf32, #tpu.memory_space<hbm>>
        tpu.enqueue_indirect_dma source(%dma_start3A_556 : memref<20000x128xf32, #tpu.memory_space<hbm>>) target(%arg17 : memref<64x128xf32, #tpu.memory_space<vmem>>) offsets(%dma_start3A_553 : memref<64xi32, #tpu.memory_space<vmem>>) semaphore(%arg21 : memref<!tpu.dma_semaphore, #tpu.memory_space<semaphore_mem>>)
        %dma_wait3A_557 = arith.constant 5 : i32
        %dma_wait3A_558 = arith.constant 0 : i32
        %dma_wait3A_559 = tpu.memref_slice %arg15[%dma_wait3A_557, %dma_wait3A_558] : memref<8x64xi32, #tpu.memory_space<vmem>> -> memref<1x64xi32, #tpu.memory_space<vmem>>
        %dma_wait3A_560 = tpu.memref_squeeze %dma_wait3A_559 : memref<1x64xi32, #tpu.memory_space<vmem>> -> memref<64xi32, #tpu.memory_space<vmem>>
        %dma_wait3A_561 = arith.constant 0 : i32
        %dma_wait3A_562 = arith.constant 0 : i32
        %dma_wait3A_563 = tpu.memref_slice %arg7[%dma_wait3A_561, %dma_wait3A_562] : memref<64x128xf32, #tpu.memory_space<hbm>> -> memref<64x128xf32, #tpu.memory_space<hbm>>
        tpu.wait_indirect_dma semaphore(%arg26 : memref<!tpu.dma_semaphore, #tpu.memory_space<semaphore_mem>>) src(%dma_wait3A_563 : memref<64x128xf32, #tpu.memory_space<hbm>>) dst(%arg20 : memref<64x128xf32, #tpu.memory_space<vmem>>)
        %dma_start3A_564 = arith.constant 5 : i32
        %dma_start3A_565 = arith.constant 0 : i32
        %dma_start3A_566 = tpu.memref_slice %arg16[%dma_start3A_564, %dma_start3A_565] : memref<8x64xi32, #tpu.memory_space<vmem>> -> memref<1x64xi32, #tpu.memory_space<vmem>>
        %dma_start3A_567 = tpu.memref_squeeze %dma_start3A_566 : memref<1x64xi32, #tpu.memory_space<vmem>> -> memref<64xi32, #tpu.memory_space<vmem>>
        %dma_start3A_568 = arith.constant 0 : i32
        %dma_start3A_569 = arith.constant 0 : i32
        %dma_start3A_570 = tpu.memref_slice %arg12[%dma_start3A_568, %dma_start3A_569] : memref<1280x128xf32, #tpu.memory_space<vmem_shared>> -> memref<1280x128xf32, #tpu.memory_space<vmem_shared>>
        tpu.enqueue_indirect_dma source(%arg20 : memref<64x128xf32, #tpu.memory_space<vmem>>) target(%dma_start3A_570 : memref<1280x128xf32, #tpu.memory_space<vmem_shared>>) offsets(%dma_start3A_567 : memref<64xi32, #tpu.memory_space<vmem>>) semaphore(%arg28 : memref<!tpu.dma_semaphore, #tpu.memory_space<semaphore_mem>>) {add = true}
        %dma_wait3A_571 = arith.constant 4 : i32
        %dma_wait3A_572 = arith.constant 0 : i32
        %dma_wait3A_573 = tpu.memref_slice %arg16[%dma_wait3A_571, %dma_wait3A_572] : memref<8x64xi32, #tpu.memory_space<vmem>> -> memref<1x64xi32, #tpu.memory_space<vmem>>
        %dma_wait3A_574 = tpu.memref_squeeze %dma_wait3A_573 : memref<1x64xi32, #tpu.memory_space<vmem>> -> memref<64xi32, #tpu.memory_space<vmem>>
        %dma_wait3A_575 = arith.constant 0 : i32
        %dma_wait3A_576 = arith.constant 0 : i32
        %dma_wait3A_577 = tpu.memref_slice %arg12[%dma_wait3A_575, %dma_wait3A_576] : memref<1280x128xf32, #tpu.memory_space<vmem_shared>> -> memref<1280x128xf32, #tpu.memory_space<vmem_shared>>
        tpu.wait_indirect_dma semaphore(%arg27 : memref<!tpu.dma_semaphore, #tpu.memory_space<semaphore_mem>>) src(%arg19 : memref<64x128xf32, #tpu.memory_space<vmem>>) dst(%dma_wait3A_577 : memref<1280x128xf32, #tpu.memory_space<vmem_shared>>)
        %dma_start3A_578 = arith.constant 6 : i32
        %dma_start3A_579 = arith.constant 0 : i32
        %dma_start3A_580 = tpu.memref_slice %arg15[%dma_start3A_578, %dma_start3A_579] : memref<8x64xi32, #tpu.memory_space<vmem>> -> memref<1x64xi32, #tpu.memory_space<vmem>>
        %dma_start3A_581 = tpu.memref_squeeze %dma_start3A_580 : memref<1x64xi32, #tpu.memory_space<vmem>> -> memref<64xi32, #tpu.memory_space<vmem>>
        %dma_start3A_582 = arith.constant 0 : i32
        %dma_start3A_583 = arith.constant 0 : i32
        %dma_start3A_584 = tpu.memref_slice %arg7[%dma_start3A_582, %dma_start3A_583] : memref<64x128xf32, #tpu.memory_space<hbm>> -> memref<64x128xf32, #tpu.memory_space<hbm>>
        tpu.enqueue_indirect_dma source(%dma_start3A_584 : memref<64x128xf32, #tpu.memory_space<hbm>>) target(%arg19 : memref<64x128xf32, #tpu.memory_space<vmem>>) offsets(%dma_start3A_581 : memref<64xi32, #tpu.memory_space<vmem>>) semaphore(%arg25 : memref<!tpu.dma_semaphore, #tpu.memory_space<semaphore_mem>>)
        %dma_wait3A_585 = arith.constant 6 : i32
        %dma_wait3A_586 = arith.constant 0 : i32
        %dma_wait3A_587 = tpu.memref_slice %arg14[%dma_wait3A_585, %dma_wait3A_586] : memref<8x64xi32, #tpu.memory_space<vmem>> -> memref<1x64xi32, #tpu.memory_space<vmem>>
        %dma_wait3A_588 = tpu.memref_squeeze %dma_wait3A_587 : memref<1x64xi32, #tpu.memory_space<vmem>> -> memref<64xi32, #tpu.memory_space<vmem>>
        %dma_wait3A_589 = arith.constant 0 : i32
        %dma_wait3A_590 = arith.constant 0 : i32
        %dma_wait3A_591 = tpu.memref_slice %arg2[%dma_wait3A_589, %dma_wait3A_590] : memref<20000x128xf32, #tpu.memory_space<hbm>> -> memref<20000x128xf32, #tpu.memory_space<hbm>>
        tpu.wait_indirect_dma semaphore(%arg21 : memref<!tpu.dma_semaphore, #tpu.memory_space<semaphore_mem>>) src(%dma_wait3A_591 : memref<20000x128xf32, #tpu.memory_space<hbm>>) dst(%arg17 : memref<64x128xf32, #tpu.memory_space<vmem>>)
        %dma_start3A_592 = arith.constant 6 : i32
        %dma_start3A_593 = arith.constant 0 : i32
        %dma_start3A_594 = tpu.memref_slice %arg13[%dma_start3A_592, %dma_start3A_593] : memref<8x64xi32, #tpu.memory_space<vmem>> -> memref<1x64xi32, #tpu.memory_space<vmem>>
        %dma_start3A_595 = tpu.memref_squeeze %dma_start3A_594 : memref<1x64xi32, #tpu.memory_space<vmem>> -> memref<64xi32, #tpu.memory_space<vmem>>
        %dma_start3A_596 = arith.constant 0 : i32
        %dma_start3A_597 = arith.constant 0 : i32
        %dma_start3A_598 = tpu.memref_slice %arg11[%dma_start3A_596, %dma_start3A_597] : memref<10112x128xf32, #tpu.memory_space<vmem_shared>> -> memref<10112x128xf32, #tpu.memory_space<vmem_shared>>
        tpu.enqueue_indirect_dma source(%arg17 : memref<64x128xf32, #tpu.memory_space<vmem>>) target(%dma_start3A_598 : memref<10112x128xf32, #tpu.memory_space<vmem_shared>>) offsets(%dma_start3A_595 : memref<64xi32, #tpu.memory_space<vmem>>) semaphore(%arg23 : memref<!tpu.dma_semaphore, #tpu.memory_space<semaphore_mem>>) {add = true}
        %dma_wait3A_599 = arith.constant 5 : i32
        %dma_wait3A_600 = arith.constant 0 : i32
        %dma_wait3A_601 = tpu.memref_slice %arg13[%dma_wait3A_599, %dma_wait3A_600] : memref<8x64xi32, #tpu.memory_space<vmem>> -> memref<1x64xi32, #tpu.memory_space<vmem>>
        %dma_wait3A_602 = tpu.memref_squeeze %dma_wait3A_601 : memref<1x64xi32, #tpu.memory_space<vmem>> -> memref<64xi32, #tpu.memory_space<vmem>>
        %dma_wait3A_603 = arith.constant 0 : i32
        %dma_wait3A_604 = arith.constant 0 : i32
        %dma_wait3A_605 = tpu.memref_slice %arg11[%dma_wait3A_603, %dma_wait3A_604] : memref<10112x128xf32, #tpu.memory_space<vmem_shared>> -> memref<10112x128xf32, #tpu.memory_space<vmem_shared>>
        tpu.wait_indirect_dma semaphore(%arg24 : memref<!tpu.dma_semaphore, #tpu.memory_space<semaphore_mem>>) src(%arg18 : memref<64x128xf32, #tpu.memory_space<vmem>>) dst(%dma_wait3A_605 : memref<10112x128xf32, #tpu.memory_space<vmem_shared>>)
        %dma_start3A_606 = arith.constant 7 : i32
        %dma_start3A_607 = arith.constant 0 : i32
        %dma_start3A_608 = tpu.memref_slice %arg14[%dma_start3A_606, %dma_start3A_607] : memref<8x64xi32, #tpu.memory_space<vmem>> -> memref<1x64xi32, #tpu.memory_space<vmem>>
        %dma_start3A_609 = tpu.memref_squeeze %dma_start3A_608 : memref<1x64xi32, #tpu.memory_space<vmem>> -> memref<64xi32, #tpu.memory_space<vmem>>
        %dma_start3A_610 = arith.constant 0 : i32
        %dma_start3A_611 = arith.constant 0 : i32
        %dma_start3A_612 = tpu.memref_slice %arg2[%dma_start3A_610, %dma_start3A_611] : memref<20000x128xf32, #tpu.memory_space<hbm>> -> memref<20000x128xf32, #tpu.memory_space<hbm>>
        tpu.enqueue_indirect_dma source(%dma_start3A_612 : memref<20000x128xf32, #tpu.memory_space<hbm>>) target(%arg18 : memref<64x128xf32, #tpu.memory_space<vmem>>) offsets(%dma_start3A_609 : memref<64xi32, #tpu.memory_space<vmem>>) semaphore(%arg22 : memref<!tpu.dma_semaphore, #tpu.memory_space<semaphore_mem>>)
        %dma_wait3A_613 = arith.constant 6 : i32
        %dma_wait3A_614 = arith.constant 0 : i32
        %dma_wait3A_615 = tpu.memref_slice %arg15[%dma_wait3A_613, %dma_wait3A_614] : memref<8x64xi32, #tpu.memory_space<vmem>> -> memref<1x64xi32, #tpu.memory_space<vmem>>
        %dma_wait3A_616 = tpu.memref_squeeze %dma_wait3A_615 : memref<1x64xi32, #tpu.memory_space<vmem>> -> memref<64xi32, #tpu.memory_space<vmem>>
        %dma_wait3A_617 = arith.constant 0 : i32
        %dma_wait3A_618 = arith.constant 0 : i32
        %dma_wait3A_619 = tpu.memref_slice %arg7[%dma_wait3A_617, %dma_wait3A_618] : memref<64x128xf32, #tpu.memory_space<hbm>> -> memref<64x128xf32, #tpu.memory_space<hbm>>
        tpu.wait_indirect_dma semaphore(%arg25 : memref<!tpu.dma_semaphore, #tpu.memory_space<semaphore_mem>>) src(%dma_wait3A_619 : memref<64x128xf32, #tpu.memory_space<hbm>>) dst(%arg19 : memref<64x128xf32, #tpu.memory_space<vmem>>)
        %dma_start3A_620 = arith.constant 6 : i32
        %dma_start3A_621 = arith.constant 0 : i32
        %dma_start3A_622 = tpu.memref_slice %arg16[%dma_start3A_620, %dma_start3A_621] : memref<8x64xi32, #tpu.memory_space<vmem>> -> memref<1x64xi32, #tpu.memory_space<vmem>>
        %dma_start3A_623 = tpu.memref_squeeze %dma_start3A_622 : memref<1x64xi32, #tpu.memory_space<vmem>> -> memref<64xi32, #tpu.memory_space<vmem>>
        %dma_start3A_624 = arith.constant 0 : i32
        %dma_start3A_625 = arith.constant 0 : i32
        %dma_start3A_626 = tpu.memref_slice %arg12[%dma_start3A_624, %dma_start3A_625] : memref<1280x128xf32, #tpu.memory_space<vmem_shared>> -> memref<1280x128xf32, #tpu.memory_space<vmem_shared>>
        tpu.enqueue_indirect_dma source(%arg19 : memref<64x128xf32, #tpu.memory_space<vmem>>) target(%dma_start3A_626 : memref<1280x128xf32, #tpu.memory_space<vmem_shared>>) offsets(%dma_start3A_623 : memref<64xi32, #tpu.memory_space<vmem>>) semaphore(%arg27 : memref<!tpu.dma_semaphore, #tpu.memory_space<semaphore_mem>>) {add = true}
        %dma_wait3A_627 = arith.constant 5 : i32
        %dma_wait3A_628 = arith.constant 0 : i32
        %dma_wait3A_629 = tpu.memref_slice %arg16[%dma_wait3A_627, %dma_wait3A_628] : memref<8x64xi32, #tpu.memory_space<vmem>> -> memref<1x64xi32, #tpu.memory_space<vmem>>
        %dma_wait3A_630 = tpu.memref_squeeze %dma_wait3A_629 : memref<1x64xi32, #tpu.memory_space<vmem>> -> memref<64xi32, #tpu.memory_space<vmem>>
        %dma_wait3A_631 = arith.constant 0 : i32
        %dma_wait3A_632 = arith.constant 0 : i32
        %dma_wait3A_633 = tpu.memref_slice %arg12[%dma_wait3A_631, %dma_wait3A_632] : memref<1280x128xf32, #tpu.memory_space<vmem_shared>> -> memref<1280x128xf32, #tpu.memory_space<vmem_shared>>
        tpu.wait_indirect_dma semaphore(%arg28 : memref<!tpu.dma_semaphore, #tpu.memory_space<semaphore_mem>>) src(%arg20 : memref<64x128xf32, #tpu.memory_space<vmem>>) dst(%dma_wait3A_633 : memref<1280x128xf32, #tpu.memory_space<vmem_shared>>)
        %dma_start3A_634 = arith.constant 7 : i32
        %dma_start3A_635 = arith.constant 0 : i32
        %dma_start3A_636 = tpu.memref_slice %arg15[%dma_start3A_634, %dma_start3A_635] : memref<8x64xi32, #tpu.memory_space<vmem>> -> memref<1x64xi32, #tpu.memory_space<vmem>>
        %dma_start3A_637 = tpu.memref_squeeze %dma_start3A_636 : memref<1x64xi32, #tpu.memory_space<vmem>> -> memref<64xi32, #tpu.memory_space<vmem>>
        %dma_start3A_638 = arith.constant 0 : i32
        %dma_start3A_639 = arith.constant 0 : i32
        %dma_start3A_640 = tpu.memref_slice %arg7[%dma_start3A_638, %dma_start3A_639] : memref<64x128xf32, #tpu.memory_space<hbm>> -> memref<64x128xf32, #tpu.memory_space<hbm>>
        tpu.enqueue_indirect_dma source(%dma_start3A_640 : memref<64x128xf32, #tpu.memory_space<hbm>>) target(%arg20 : memref<64x128xf32, #tpu.memory_space<vmem>>) offsets(%dma_start3A_637 : memref<64xi32, #tpu.memory_space<vmem>>) semaphore(%arg26 : memref<!tpu.dma_semaphore, #tpu.memory_space<semaphore_mem>>)
        %dma_wait3A_641 = arith.constant 7 : i32
        %dma_wait3A_642 = arith.constant 0 : i32
        %dma_wait3A_643 = tpu.memref_slice %arg14[%dma_wait3A_641, %dma_wait3A_642] : memref<8x64xi32, #tpu.memory_space<vmem>> -> memref<1x64xi32, #tpu.memory_space<vmem>>
        %dma_wait3A_644 = tpu.memref_squeeze %dma_wait3A_643 : memref<1x64xi32, #tpu.memory_space<vmem>> -> memref<64xi32, #tpu.memory_space<vmem>>
        %dma_wait3A_645 = arith.constant 0 : i32
        %dma_wait3A_646 = arith.constant 0 : i32
        %dma_wait3A_647 = tpu.memref_slice %arg2[%dma_wait3A_645, %dma_wait3A_646] : memref<20000x128xf32, #tpu.memory_space<hbm>> -> memref<20000x128xf32, #tpu.memory_space<hbm>>
        tpu.wait_indirect_dma semaphore(%arg22 : memref<!tpu.dma_semaphore, #tpu.memory_space<semaphore_mem>>) src(%dma_wait3A_647 : memref<20000x128xf32, #tpu.memory_space<hbm>>) dst(%arg18 : memref<64x128xf32, #tpu.memory_space<vmem>>)
        %dma_start3A_648 = arith.constant 7 : i32
        %dma_start3A_649 = arith.constant 0 : i32
        %dma_start3A_650 = tpu.memref_slice %arg13[%dma_start3A_648, %dma_start3A_649] : memref<8x64xi32, #tpu.memory_space<vmem>> -> memref<1x64xi32, #tpu.memory_space<vmem>>
        %dma_start3A_651 = tpu.memref_squeeze %dma_start3A_650 : memref<1x64xi32, #tpu.memory_space<vmem>> -> memref<64xi32, #tpu.memory_space<vmem>>
        %dma_start3A_652 = arith.constant 0 : i32
        %dma_start3A_653 = arith.constant 0 : i32
        %dma_start3A_654 = tpu.memref_slice %arg11[%dma_start3A_652, %dma_start3A_653] : memref<10112x128xf32, #tpu.memory_space<vmem_shared>> -> memref<10112x128xf32, #tpu.memory_space<vmem_shared>>
        tpu.enqueue_indirect_dma source(%arg18 : memref<64x128xf32, #tpu.memory_space<vmem>>) target(%dma_start3A_654 : memref<10112x128xf32, #tpu.memory_space<vmem_shared>>) offsets(%dma_start3A_651 : memref<64xi32, #tpu.memory_space<vmem>>) semaphore(%arg24 : memref<!tpu.dma_semaphore, #tpu.memory_space<semaphore_mem>>) {add = true}
        %dma_wait3A_655 = arith.constant 7 : i32
        %dma_wait3A_656 = arith.constant 0 : i32
        %dma_wait3A_657 = tpu.memref_slice %arg15[%dma_wait3A_655, %dma_wait3A_656] : memref<8x64xi32, #tpu.memory_space<vmem>> -> memref<1x64xi32, #tpu.memory_space<vmem>>
        %dma_wait3A_658 = tpu.memref_squeeze %dma_wait3A_657 : memref<1x64xi32, #tpu.memory_space<vmem>> -> memref<64xi32, #tpu.memory_space<vmem>>
        %dma_wait3A_659 = arith.constant 0 : i32
        %dma_wait3A_660 = arith.constant 0 : i32
        %dma_wait3A_661 = tpu.memref_slice %arg7[%dma_wait3A_659, %dma_wait3A_660] : memref<64x128xf32, #tpu.memory_space<hbm>> -> memref<64x128xf32, #tpu.memory_space<hbm>>
        tpu.wait_indirect_dma semaphore(%arg26 : memref<!tpu.dma_semaphore, #tpu.memory_space<semaphore_mem>>) src(%dma_wait3A_661 : memref<64x128xf32, #tpu.memory_space<hbm>>) dst(%arg20 : memref<64x128xf32, #tpu.memory_space<vmem>>)
        %dma_start3A_662 = arith.constant 7 : i32
        %dma_start3A_663 = arith.constant 0 : i32
        %dma_start3A_664 = tpu.memref_slice %arg16[%dma_start3A_662, %dma_start3A_663] : memref<8x64xi32, #tpu.memory_space<vmem>> -> memref<1x64xi32, #tpu.memory_space<vmem>>
        %dma_start3A_665 = tpu.memref_squeeze %dma_start3A_664 : memref<1x64xi32, #tpu.memory_space<vmem>> -> memref<64xi32, #tpu.memory_space<vmem>>
        %dma_start3A_666 = arith.constant 0 : i32
        %dma_start3A_667 = arith.constant 0 : i32
        %dma_start3A_668 = tpu.memref_slice %arg12[%dma_start3A_666, %dma_start3A_667] : memref<1280x128xf32, #tpu.memory_space<vmem_shared>> -> memref<1280x128xf32, #tpu.memory_space<vmem_shared>>
        tpu.enqueue_indirect_dma source(%arg20 : memref<64x128xf32, #tpu.memory_space<vmem>>) target(%dma_start3A_668 : memref<1280x128xf32, #tpu.memory_space<vmem_shared>>) offsets(%dma_start3A_665 : memref<64xi32, #tpu.memory_space<vmem>>) semaphore(%arg28 : memref<!tpu.dma_semaphore, #tpu.memory_space<semaphore_mem>>) {add = true}
        %dma_wait3A_669 = arith.constant 6 : i32
        %dma_wait3A_670 = arith.constant 0 : i32
        %dma_wait3A_671 = tpu.memref_slice %arg13[%dma_wait3A_669, %dma_wait3A_670] : memref<8x64xi32, #tpu.memory_space<vmem>> -> memref<1x64xi32, #tpu.memory_space<vmem>>
        %dma_wait3A_672 = tpu.memref_squeeze %dma_wait3A_671 : memref<1x64xi32, #tpu.memory_space<vmem>> -> memref<64xi32, #tpu.memory_space<vmem>>
        %dma_wait3A_673 = arith.constant 0 : i32
        %dma_wait3A_674 = arith.constant 0 : i32
        %dma_wait3A_675 = tpu.memref_slice %arg11[%dma_wait3A_673, %dma_wait3A_674] : memref<10112x128xf32, #tpu.memory_space<vmem_shared>> -> memref<10112x128xf32, #tpu.memory_space<vmem_shared>>
        tpu.wait_indirect_dma semaphore(%arg23 : memref<!tpu.dma_semaphore, #tpu.memory_space<semaphore_mem>>) src(%arg17 : memref<64x128xf32, #tpu.memory_space<vmem>>) dst(%dma_wait3A_675 : memref<10112x128xf32, #tpu.memory_space<vmem_shared>>)
        %dma_wait3A_676 = arith.constant 7 : i32
        %dma_wait3A_677 = arith.constant 0 : i32
        %dma_wait3A_678 = tpu.memref_slice %arg13[%dma_wait3A_676, %dma_wait3A_677] : memref<8x64xi32, #tpu.memory_space<vmem>> -> memref<1x64xi32, #tpu.memory_space<vmem>>
        %dma_wait3A_679 = tpu.memref_squeeze %dma_wait3A_678 : memref<1x64xi32, #tpu.memory_space<vmem>> -> memref<64xi32, #tpu.memory_space<vmem>>
        %dma_wait3A_680 = arith.constant 0 : i32
        %dma_wait3A_681 = arith.constant 0 : i32
        %dma_wait3A_682 = tpu.memref_slice %arg11[%dma_wait3A_680, %dma_wait3A_681] : memref<10112x128xf32, #tpu.memory_space<vmem_shared>> -> memref<10112x128xf32, #tpu.memory_space<vmem_shared>>
        tpu.wait_indirect_dma semaphore(%arg24 : memref<!tpu.dma_semaphore, #tpu.memory_space<semaphore_mem>>) src(%arg18 : memref<64x128xf32, #tpu.memory_space<vmem>>) dst(%dma_wait3A_682 : memref<10112x128xf32, #tpu.memory_space<vmem_shared>>)
        %dma_wait3A_683 = arith.constant 6 : i32
        %dma_wait3A_684 = arith.constant 0 : i32
        %dma_wait3A_685 = tpu.memref_slice %arg16[%dma_wait3A_683, %dma_wait3A_684] : memref<8x64xi32, #tpu.memory_space<vmem>> -> memref<1x64xi32, #tpu.memory_space<vmem>>
        %dma_wait3A_686 = tpu.memref_squeeze %dma_wait3A_685 : memref<1x64xi32, #tpu.memory_space<vmem>> -> memref<64xi32, #tpu.memory_space<vmem>>
        %dma_wait3A_687 = arith.constant 0 : i32
        %dma_wait3A_688 = arith.constant 0 : i32
        %dma_wait3A_689 = tpu.memref_slice %arg12[%dma_wait3A_687, %dma_wait3A_688] : memref<1280x128xf32, #tpu.memory_space<vmem_shared>> -> memref<1280x128xf32, #tpu.memory_space<vmem_shared>>
        tpu.wait_indirect_dma semaphore(%arg27 : memref<!tpu.dma_semaphore, #tpu.memory_space<semaphore_mem>>) src(%arg19 : memref<64x128xf32, #tpu.memory_space<vmem>>) dst(%dma_wait3A_689 : memref<1280x128xf32, #tpu.memory_space<vmem_shared>>)
        %dma_wait3A_690 = arith.constant 7 : i32
        %dma_wait3A_691 = arith.constant 0 : i32
        %dma_wait3A_692 = tpu.memref_slice %arg16[%dma_wait3A_690, %dma_wait3A_691] : memref<8x64xi32, #tpu.memory_space<vmem>> -> memref<1x64xi32, #tpu.memory_space<vmem>>
        %dma_wait3A_693 = tpu.memref_squeeze %dma_wait3A_692 : memref<1x64xi32, #tpu.memory_space<vmem>> -> memref<64xi32, #tpu.memory_space<vmem>>
        %dma_wait3A_694 = arith.constant 0 : i32
        %dma_wait3A_695 = arith.constant 0 : i32
        %dma_wait3A_696 = tpu.memref_slice %arg12[%dma_wait3A_694, %dma_wait3A_695] : memref<1280x128xf32, #tpu.memory_space<vmem_shared>> -> memref<1280x128xf32, #tpu.memory_space<vmem_shared>>
        tpu.wait_indirect_dma semaphore(%arg28 : memref<!tpu.dma_semaphore, #tpu.memory_space<semaphore_mem>>) src(%arg20 : memref<64x128xf32, #tpu.memory_space<vmem>>) dst(%dma_wait3A_696 : memref<1280x128xf32, #tpu.memory_space<vmem_shared>>)
      } else {
      }
      %and3A_244 = arith.constant 1 : i32
      %and3A_245 = arith.andi %add3A_174, %and3A_244 : i32
      %ne3A = arith.cmpi ne, %and3A_245, %arg0 : i32
      %convert_element_type3A_246 = arith.extui %ne3A : i1 to i32
      %cond3A_247 = arith.constant 0 : i32
      %cond3A_248 = arith.cmpi ne, %convert_element_type3A_246, %cond3A_247 : i32
      scf.if %cond3A_248 {
        %dma_start3A_249 = arith.constant 0 : i32
        %dma_start3A_250 = arith.constant 0 : i32
        %dma_start3A_251 = tpu.memref_slice %arg14[%dma_start3A_249, %dma_start3A_250] : memref<8x64xi32, #tpu.memory_space<vmem>> -> memref<1x64xi32, #tpu.memory_space<vmem>>
        %dma_start3A_252 = tpu.memref_squeeze %dma_start3A_251 : memref<1x64xi32, #tpu.memory_space<vmem>> -> memref<64xi32, #tpu.memory_space<vmem>>
        %dma_start3A_253 = arith.constant 0 : i32
        %dma_start3A_254 = arith.constant 0 : i32
        %dma_start3A_255 = tpu.memref_slice %arg2[%dma_start3A_253, %dma_start3A_254] : memref<20000x128xf32, #tpu.memory_space<hbm>> -> memref<20000x128xf32, #tpu.memory_space<hbm>>
        tpu.enqueue_indirect_dma source(%dma_start3A_255 : memref<20000x128xf32, #tpu.memory_space<hbm>>) target(%arg17 : memref<64x128xf32, #tpu.memory_space<vmem>>) offsets(%dma_start3A_252 : memref<64xi32, #tpu.memory_space<vmem>>) semaphore(%arg21 : memref<!tpu.dma_semaphore, #tpu.memory_space<semaphore_mem>>)
        %dma_wait3A_256 = arith.constant 0 : i32
        %dma_wait3A_257 = arith.constant 0 : i32
        %dma_wait3A_258 = tpu.memref_slice %arg14[%dma_wait3A_256, %dma_wait3A_257] : memref<8x64xi32, #tpu.memory_space<vmem>> -> memref<1x64xi32, #tpu.memory_space<vmem>>
        %dma_wait3A_259 = tpu.memref_squeeze %dma_wait3A_258 : memref<1x64xi32, #tpu.memory_space<vmem>> -> memref<64xi32, #tpu.memory_space<vmem>>
        %dma_wait3A_260 = arith.constant 0 : i32
        %dma_wait3A_261 = arith.constant 0 : i32
        %dma_wait3A_262 = tpu.memref_slice %arg2[%dma_wait3A_260, %dma_wait3A_261] : memref<20000x128xf32, #tpu.memory_space<hbm>> -> memref<20000x128xf32, #tpu.memory_space<hbm>>
        tpu.wait_indirect_dma semaphore(%arg21 : memref<!tpu.dma_semaphore, #tpu.memory_space<semaphore_mem>>) src(%dma_wait3A_262 : memref<20000x128xf32, #tpu.memory_space<hbm>>) dst(%arg17 : memref<64x128xf32, #tpu.memory_space<vmem>>)
        %dma_start3A_263 = arith.constant 0 : i32
        %dma_start3A_264 = arith.constant 0 : i32
        %dma_start3A_265 = tpu.memref_slice %arg13[%dma_start3A_263, %dma_start3A_264] : memref<8x64xi32, #tpu.memory_space<vmem>> -> memref<1x64xi32, #tpu.memory_space<vmem>>
        %dma_start3A_266 = tpu.memref_squeeze %dma_start3A_265 : memref<1x64xi32, #tpu.memory_space<vmem>> -> memref<64xi32, #tpu.memory_space<vmem>>
        %dma_start3A_267 = arith.constant 0 : i32
        %dma_start3A_268 = arith.constant 0 : i32
        %dma_start3A_269 = tpu.memref_slice %arg11[%dma_start3A_267, %dma_start3A_268] : memref<10112x128xf32, #tpu.memory_space<vmem_shared>> -> memref<10112x128xf32, #tpu.memory_space<vmem_shared>>
        tpu.enqueue_indirect_dma source(%arg17 : memref<64x128xf32, #tpu.memory_space<vmem>>) target(%dma_start3A_269 : memref<10112x128xf32, #tpu.memory_space<vmem_shared>>) offsets(%dma_start3A_266 : memref<64xi32, #tpu.memory_space<vmem>>) semaphore(%arg23 : memref<!tpu.dma_semaphore, #tpu.memory_space<semaphore_mem>>) {add = true}
        %dma_start3A_270 = arith.constant 1 : i32
        %dma_start3A_271 = arith.constant 0 : i32
        %dma_start3A_272 = tpu.memref_slice %arg14[%dma_start3A_270, %dma_start3A_271] : memref<8x64xi32, #tpu.memory_space<vmem>> -> memref<1x64xi32, #tpu.memory_space<vmem>>
        %dma_start3A_273 = tpu.memref_squeeze %dma_start3A_272 : memref<1x64xi32, #tpu.memory_space<vmem>> -> memref<64xi32, #tpu.memory_space<vmem>>
        %dma_start3A_274 = arith.constant 0 : i32
        %dma_start3A_275 = arith.constant 0 : i32
        %dma_start3A_276 = tpu.memref_slice %arg2[%dma_start3A_274, %dma_start3A_275] : memref<20000x128xf32, #tpu.memory_space<hbm>> -> memref<20000x128xf32, #tpu.memory_space<hbm>>
        tpu.enqueue_indirect_dma source(%dma_start3A_276 : memref<20000x128xf32, #tpu.memory_space<hbm>>) target(%arg18 : memref<64x128xf32, #tpu.memory_space<vmem>>) offsets(%dma_start3A_273 : memref<64xi32, #tpu.memory_space<vmem>>) semaphore(%arg22 : memref<!tpu.dma_semaphore, #tpu.memory_space<semaphore_mem>>)
        %dma_wait3A_277 = arith.constant 1 : i32
        %dma_wait3A_278 = arith.constant 0 : i32
        %dma_wait3A_279 = tpu.memref_slice %arg14[%dma_wait3A_277, %dma_wait3A_278] : memref<8x64xi32, #tpu.memory_space<vmem>> -> memref<1x64xi32, #tpu.memory_space<vmem>>
        %dma_wait3A_280 = tpu.memref_squeeze %dma_wait3A_279 : memref<1x64xi32, #tpu.memory_space<vmem>> -> memref<64xi32, #tpu.memory_space<vmem>>
        %dma_wait3A_281 = arith.constant 0 : i32
        %dma_wait3A_282 = arith.constant 0 : i32
        %dma_wait3A_283 = tpu.memref_slice %arg2[%dma_wait3A_281, %dma_wait3A_282] : memref<20000x128xf32, #tpu.memory_space<hbm>> -> memref<20000x128xf32, #tpu.memory_space<hbm>>
        tpu.wait_indirect_dma semaphore(%arg22 : memref<!tpu.dma_semaphore, #tpu.memory_space<semaphore_mem>>) src(%dma_wait3A_283 : memref<20000x128xf32, #tpu.memory_space<hbm>>) dst(%arg18 : memref<64x128xf32, #tpu.memory_space<vmem>>)
        %dma_start3A_284 = arith.constant 1 : i32
        %dma_start3A_285 = arith.constant 0 : i32
        %dma_start3A_286 = tpu.memref_slice %arg13[%dma_start3A_284, %dma_start3A_285] : memref<8x64xi32, #tpu.memory_space<vmem>> -> memref<1x64xi32, #tpu.memory_space<vmem>>
        %dma_start3A_287 = tpu.memref_squeeze %dma_start3A_286 : memref<1x64xi32, #tpu.memory_space<vmem>> -> memref<64xi32, #tpu.memory_space<vmem>>
        %dma_start3A_288 = arith.constant 0 : i32
        %dma_start3A_289 = arith.constant 0 : i32
        %dma_start3A_290 = tpu.memref_slice %arg11[%dma_start3A_288, %dma_start3A_289] : memref<10112x128xf32, #tpu.memory_space<vmem_shared>> -> memref<10112x128xf32, #tpu.memory_space<vmem_shared>>
        tpu.enqueue_indirect_dma source(%arg18 : memref<64x128xf32, #tpu.memory_space<vmem>>) target(%dma_start3A_290 : memref<10112x128xf32, #tpu.memory_space<vmem_shared>>) offsets(%dma_start3A_287 : memref<64xi32, #tpu.memory_space<vmem>>) semaphore(%arg24 : memref<!tpu.dma_semaphore, #tpu.memory_space<semaphore_mem>>) {add = true}
        %dma_wait3A_291 = arith.constant 0 : i32
        %dma_wait3A_292 = arith.constant 0 : i32
        %dma_wait3A_293 = tpu.memref_slice %arg13[%dma_wait3A_291, %dma_wait3A_292] : memref<8x64xi32, #tpu.memory_space<vmem>> -> memref<1x64xi32, #tpu.memory_space<vmem>>
        %dma_wait3A_294 = tpu.memref_squeeze %dma_wait3A_293 : memref<1x64xi32, #tpu.memory_space<vmem>> -> memref<64xi32, #tpu.memory_space<vmem>>
        %dma_wait3A_295 = arith.constant 0 : i32
        %dma_wait3A_296 = arith.constant 0 : i32
        %dma_wait3A_297 = tpu.memref_slice %arg11[%dma_wait3A_295, %dma_wait3A_296] : memref<10112x128xf32, #tpu.memory_space<vmem_shared>> -> memref<10112x128xf32, #tpu.memory_space<vmem_shared>>
        tpu.wait_indirect_dma semaphore(%arg23 : memref<!tpu.dma_semaphore, #tpu.memory_space<semaphore_mem>>) src(%arg17 : memref<64x128xf32, #tpu.memory_space<vmem>>) dst(%dma_wait3A_297 : memref<10112x128xf32, #tpu.memory_space<vmem_shared>>)
        %dma_start3A_298 = arith.constant 2 : i32
        %dma_start3A_299 = arith.constant 0 : i32
        %dma_start3A_300 = tpu.memref_slice %arg14[%dma_start3A_298, %dma_start3A_299] : memref<8x64xi32, #tpu.memory_space<vmem>> -> memref<1x64xi32, #tpu.memory_space<vmem>>
        %dma_start3A_301 = tpu.memref_squeeze %dma_start3A_300 : memref<1x64xi32, #tpu.memory_space<vmem>> -> memref<64xi32, #tpu.memory_space<vmem>>
        %dma_start3A_302 = arith.constant 0 : i32
        %dma_start3A_303 = arith.constant 0 : i32
        %dma_start3A_304 = tpu.memref_slice %arg2[%dma_start3A_302, %dma_start3A_303] : memref<20000x128xf32, #tpu.memory_space<hbm>> -> memref<20000x128xf32, #tpu.memory_space<hbm>>
        tpu.enqueue_indirect_dma source(%dma_start3A_304 : memref<20000x128xf32, #tpu.memory_space<hbm>>) target(%arg17 : memref<64x128xf32, #tpu.memory_space<vmem>>) offsets(%dma_start3A_301 : memref<64xi32, #tpu.memory_space<vmem>>) semaphore(%arg21 : memref<!tpu.dma_semaphore, #tpu.memory_space<semaphore_mem>>)
        %dma_wait3A_305 = arith.constant 2 : i32
        %dma_wait3A_306 = arith.constant 0 : i32
        %dma_wait3A_307 = tpu.memref_slice %arg14[%dma_wait3A_305, %dma_wait3A_306] : memref<8x64xi32, #tpu.memory_space<vmem>> -> memref<1x64xi32, #tpu.memory_space<vmem>>
        %dma_wait3A_308 = tpu.memref_squeeze %dma_wait3A_307 : memref<1x64xi32, #tpu.memory_space<vmem>> -> memref<64xi32, #tpu.memory_space<vmem>>
        %dma_wait3A_309 = arith.constant 0 : i32
        %dma_wait3A_310 = arith.constant 0 : i32
        %dma_wait3A_311 = tpu.memref_slice %arg2[%dma_wait3A_309, %dma_wait3A_310] : memref<20000x128xf32, #tpu.memory_space<hbm>> -> memref<20000x128xf32, #tpu.memory_space<hbm>>
        tpu.wait_indirect_dma semaphore(%arg21 : memref<!tpu.dma_semaphore, #tpu.memory_space<semaphore_mem>>) src(%dma_wait3A_311 : memref<20000x128xf32, #tpu.memory_space<hbm>>) dst(%arg17 : memref<64x128xf32, #tpu.memory_space<vmem>>)
        %dma_start3A_312 = arith.constant 2 : i32
        %dma_start3A_313 = arith.constant 0 : i32
        %dma_start3A_314 = tpu.memref_slice %arg13[%dma_start3A_312, %dma_start3A_313] : memref<8x64xi32, #tpu.memory_space<vmem>> -> memref<1x64xi32, #tpu.memory_space<vmem>>
        %dma_start3A_315 = tpu.memref_squeeze %dma_start3A_314 : memref<1x64xi32, #tpu.memory_space<vmem>> -> memref<64xi32, #tpu.memory_space<vmem>>
        %dma_start3A_316 = arith.constant 0 : i32
        %dma_start3A_317 = arith.constant 0 : i32
        %dma_start3A_318 = tpu.memref_slice %arg11[%dma_start3A_316, %dma_start3A_317] : memref<10112x128xf32, #tpu.memory_space<vmem_shared>> -> memref<10112x128xf32, #tpu.memory_space<vmem_shared>>
        tpu.enqueue_indirect_dma source(%arg17 : memref<64x128xf32, #tpu.memory_space<vmem>>) target(%dma_start3A_318 : memref<10112x128xf32, #tpu.memory_space<vmem_shared>>) offsets(%dma_start3A_315 : memref<64xi32, #tpu.memory_space<vmem>>) semaphore(%arg23 : memref<!tpu.dma_semaphore, #tpu.memory_space<semaphore_mem>>) {add = true}
        %dma_wait3A_319 = arith.constant 1 : i32
        %dma_wait3A_320 = arith.constant 0 : i32
        %dma_wait3A_321 = tpu.memref_slice %arg13[%dma_wait3A_319, %dma_wait3A_320] : memref<8x64xi32, #tpu.memory_space<vmem>> -> memref<1x64xi32, #tpu.memory_space<vmem>>
        %dma_wait3A_322 = tpu.memref_squeeze %dma_wait3A_321 : memref<1x64xi32, #tpu.memory_space<vmem>> -> memref<64xi32, #tpu.memory_space<vmem>>
        %dma_wait3A_323 = arith.constant 0 : i32
        %dma_wait3A_324 = arith.constant 0 : i32
        %dma_wait3A_325 = tpu.memref_slice %arg11[%dma_wait3A_323, %dma_wait3A_324] : memref<10112x128xf32, #tpu.memory_space<vmem_shared>> -> memref<10112x128xf32, #tpu.memory_space<vmem_shared>>
        tpu.wait_indirect_dma semaphore(%arg24 : memref<!tpu.dma_semaphore, #tpu.memory_space<semaphore_mem>>) src(%arg18 : memref<64x128xf32, #tpu.memory_space<vmem>>) dst(%dma_wait3A_325 : memref<10112x128xf32, #tpu.memory_space<vmem_shared>>)
        %dma_start3A_326 = arith.constant 3 : i32
        %dma_start3A_327 = arith.constant 0 : i32
        %dma_start3A_328 = tpu.memref_slice %arg14[%dma_start3A_326, %dma_start3A_327] : memref<8x64xi32, #tpu.memory_space<vmem>> -> memref<1x64xi32, #tpu.memory_space<vmem>>
        %dma_start3A_329 = tpu.memref_squeeze %dma_start3A_328 : memref<1x64xi32, #tpu.memory_space<vmem>> -> memref<64xi32, #tpu.memory_space<vmem>>
        %dma_start3A_330 = arith.constant 0 : i32
        %dma_start3A_331 = arith.constant 0 : i32
        %dma_start3A_332 = tpu.memref_slice %arg2[%dma_start3A_330, %dma_start3A_331] : memref<20000x128xf32, #tpu.memory_space<hbm>> -> memref<20000x128xf32, #tpu.memory_space<hbm>>
        tpu.enqueue_indirect_dma source(%dma_start3A_332 : memref<20000x128xf32, #tpu.memory_space<hbm>>) target(%arg18 : memref<64x128xf32, #tpu.memory_space<vmem>>) offsets(%dma_start3A_329 : memref<64xi32, #tpu.memory_space<vmem>>) semaphore(%arg22 : memref<!tpu.dma_semaphore, #tpu.memory_space<semaphore_mem>>)
        %dma_wait3A_333 = arith.constant 3 : i32
        %dma_wait3A_334 = arith.constant 0 : i32
        %dma_wait3A_335 = tpu.memref_slice %arg14[%dma_wait3A_333, %dma_wait3A_334] : memref<8x64xi32, #tpu.memory_space<vmem>> -> memref<1x64xi32, #tpu.memory_space<vmem>>
        %dma_wait3A_336 = tpu.memref_squeeze %dma_wait3A_335 : memref<1x64xi32, #tpu.memory_space<vmem>> -> memref<64xi32, #tpu.memory_space<vmem>>
        %dma_wait3A_337 = arith.constant 0 : i32
        %dma_wait3A_338 = arith.constant 0 : i32
        %dma_wait3A_339 = tpu.memref_slice %arg2[%dma_wait3A_337, %dma_wait3A_338] : memref<20000x128xf32, #tpu.memory_space<hbm>> -> memref<20000x128xf32, #tpu.memory_space<hbm>>
        tpu.wait_indirect_dma semaphore(%arg22 : memref<!tpu.dma_semaphore, #tpu.memory_space<semaphore_mem>>) src(%dma_wait3A_339 : memref<20000x128xf32, #tpu.memory_space<hbm>>) dst(%arg18 : memref<64x128xf32, #tpu.memory_space<vmem>>)
        %dma_start3A_340 = arith.constant 3 : i32
        %dma_start3A_341 = arith.constant 0 : i32
        %dma_start3A_342 = tpu.memref_slice %arg13[%dma_start3A_340, %dma_start3A_341] : memref<8x64xi32, #tpu.memory_space<vmem>> -> memref<1x64xi32, #tpu.memory_space<vmem>>
        %dma_start3A_343 = tpu.memref_squeeze %dma_start3A_342 : memref<1x64xi32, #tpu.memory_space<vmem>> -> memref<64xi32, #tpu.memory_space<vmem>>
        %dma_start3A_344 = arith.constant 0 : i32
        %dma_start3A_345 = arith.constant 0 : i32
        %dma_start3A_346 = tpu.memref_slice %arg11[%dma_start3A_344, %dma_start3A_345] : memref<10112x128xf32, #tpu.memory_space<vmem_shared>> -> memref<10112x128xf32, #tpu.memory_space<vmem_shared>>
        tpu.enqueue_indirect_dma source(%arg18 : memref<64x128xf32, #tpu.memory_space<vmem>>) target(%dma_start3A_346 : memref<10112x128xf32, #tpu.memory_space<vmem_shared>>) offsets(%dma_start3A_343 : memref<64xi32, #tpu.memory_space<vmem>>) semaphore(%arg24 : memref<!tpu.dma_semaphore, #tpu.memory_space<semaphore_mem>>) {add = true}
        %dma_wait3A_347 = arith.constant 2 : i32
        %dma_wait3A_348 = arith.constant 0 : i32
        %dma_wait3A_349 = tpu.memref_slice %arg13[%dma_wait3A_347, %dma_wait3A_348] : memref<8x64xi32, #tpu.memory_space<vmem>> -> memref<1x64xi32, #tpu.memory_space<vmem>>
        %dma_wait3A_350 = tpu.memref_squeeze %dma_wait3A_349 : memref<1x64xi32, #tpu.memory_space<vmem>> -> memref<64xi32, #tpu.memory_space<vmem>>
        %dma_wait3A_351 = arith.constant 0 : i32
        %dma_wait3A_352 = arith.constant 0 : i32
        %dma_wait3A_353 = tpu.memref_slice %arg11[%dma_wait3A_351, %dma_wait3A_352] : memref<10112x128xf32, #tpu.memory_space<vmem_shared>> -> memref<10112x128xf32, #tpu.memory_space<vmem_shared>>
        tpu.wait_indirect_dma semaphore(%arg23 : memref<!tpu.dma_semaphore, #tpu.memory_space<semaphore_mem>>) src(%arg17 : memref<64x128xf32, #tpu.memory_space<vmem>>) dst(%dma_wait3A_353 : memref<10112x128xf32, #tpu.memory_space<vmem_shared>>)
        %dma_start3A_354 = arith.constant 4 : i32
        %dma_start3A_355 = arith.constant 0 : i32
        %dma_start3A_356 = tpu.memref_slice %arg14[%dma_start3A_354, %dma_start3A_355] : memref<8x64xi32, #tpu.memory_space<vmem>> -> memref<1x64xi32, #tpu.memory_space<vmem>>
        %dma_start3A_357 = tpu.memref_squeeze %dma_start3A_356 : memref<1x64xi32, #tpu.memory_space<vmem>> -> memref<64xi32, #tpu.memory_space<vmem>>
        %dma_start3A_358 = arith.constant 0 : i32
        %dma_start3A_359 = arith.constant 0 : i32
        %dma_start3A_360 = tpu.memref_slice %arg2[%dma_start3A_358, %dma_start3A_359] : memref<20000x128xf32, #tpu.memory_space<hbm>> -> memref<20000x128xf32, #tpu.memory_space<hbm>>
        tpu.enqueue_indirect_dma source(%dma_start3A_360 : memref<20000x128xf32, #tpu.memory_space<hbm>>) target(%arg17 : memref<64x128xf32, #tpu.memory_space<vmem>>) offsets(%dma_start3A_357 : memref<64xi32, #tpu.memory_space<vmem>>) semaphore(%arg21 : memref<!tpu.dma_semaphore, #tpu.memory_space<semaphore_mem>>)
        %dma_wait3A_361 = arith.constant 4 : i32
        %dma_wait3A_362 = arith.constant 0 : i32
        %dma_wait3A_363 = tpu.memref_slice %arg14[%dma_wait3A_361, %dma_wait3A_362] : memref<8x64xi32, #tpu.memory_space<vmem>> -> memref<1x64xi32, #tpu.memory_space<vmem>>
        %dma_wait3A_364 = tpu.memref_squeeze %dma_wait3A_363 : memref<1x64xi32, #tpu.memory_space<vmem>> -> memref<64xi32, #tpu.memory_space<vmem>>
        %dma_wait3A_365 = arith.constant 0 : i32
        %dma_wait3A_366 = arith.constant 0 : i32
        %dma_wait3A_367 = tpu.memref_slice %arg2[%dma_wait3A_365, %dma_wait3A_366] : memref<20000x128xf32, #tpu.memory_space<hbm>> -> memref<20000x128xf32, #tpu.memory_space<hbm>>
        tpu.wait_indirect_dma semaphore(%arg21 : memref<!tpu.dma_semaphore, #tpu.memory_space<semaphore_mem>>) src(%dma_wait3A_367 : memref<20000x128xf32, #tpu.memory_space<hbm>>) dst(%arg17 : memref<64x128xf32, #tpu.memory_space<vmem>>)
        %dma_start3A_368 = arith.constant 4 : i32
        %dma_start3A_369 = arith.constant 0 : i32
        %dma_start3A_370 = tpu.memref_slice %arg13[%dma_start3A_368, %dma_start3A_369] : memref<8x64xi32, #tpu.memory_space<vmem>> -> memref<1x64xi32, #tpu.memory_space<vmem>>
        %dma_start3A_371 = tpu.memref_squeeze %dma_start3A_370 : memref<1x64xi32, #tpu.memory_space<vmem>> -> memref<64xi32, #tpu.memory_space<vmem>>
        %dma_start3A_372 = arith.constant 0 : i32
        %dma_start3A_373 = arith.constant 0 : i32
        %dma_start3A_374 = tpu.memref_slice %arg11[%dma_start3A_372, %dma_start3A_373] : memref<10112x128xf32, #tpu.memory_space<vmem_shared>> -> memref<10112x128xf32, #tpu.memory_space<vmem_shared>>
        tpu.enqueue_indirect_dma source(%arg17 : memref<64x128xf32, #tpu.memory_space<vmem>>) target(%dma_start3A_374 : memref<10112x128xf32, #tpu.memory_space<vmem_shared>>) offsets(%dma_start3A_371 : memref<64xi32, #tpu.memory_space<vmem>>) semaphore(%arg23 : memref<!tpu.dma_semaphore, #tpu.memory_space<semaphore_mem>>) {add = true}
        %dma_wait3A_375 = arith.constant 3 : i32
        %dma_wait3A_376 = arith.constant 0 : i32
        %dma_wait3A_377 = tpu.memref_slice %arg13[%dma_wait3A_375, %dma_wait3A_376] : memref<8x64xi32, #tpu.memory_space<vmem>> -> memref<1x64xi32, #tpu.memory_space<vmem>>
        %dma_wait3A_378 = tpu.memref_squeeze %dma_wait3A_377 : memref<1x64xi32, #tpu.memory_space<vmem>> -> memref<64xi32, #tpu.memory_space<vmem>>
        %dma_wait3A_379 = arith.constant 0 : i32
        %dma_wait3A_380 = arith.constant 0 : i32
        %dma_wait3A_381 = tpu.memref_slice %arg11[%dma_wait3A_379, %dma_wait3A_380] : memref<10112x128xf32, #tpu.memory_space<vmem_shared>> -> memref<10112x128xf32, #tpu.memory_space<vmem_shared>>
        tpu.wait_indirect_dma semaphore(%arg24 : memref<!tpu.dma_semaphore, #tpu.memory_space<semaphore_mem>>) src(%arg18 : memref<64x128xf32, #tpu.memory_space<vmem>>) dst(%dma_wait3A_381 : memref<10112x128xf32, #tpu.memory_space<vmem_shared>>)
        %dma_start3A_382 = arith.constant 5 : i32
        %dma_start3A_383 = arith.constant 0 : i32
        %dma_start3A_384 = tpu.memref_slice %arg14[%dma_start3A_382, %dma_start3A_383] : memref<8x64xi32, #tpu.memory_space<vmem>> -> memref<1x64xi32, #tpu.memory_space<vmem>>
        %dma_start3A_385 = tpu.memref_squeeze %dma_start3A_384 : memref<1x64xi32, #tpu.memory_space<vmem>> -> memref<64xi32, #tpu.memory_space<vmem>>
        %dma_start3A_386 = arith.constant 0 : i32
        %dma_start3A_387 = arith.constant 0 : i32
        %dma_start3A_388 = tpu.memref_slice %arg2[%dma_start3A_386, %dma_start3A_387] : memref<20000x128xf32, #tpu.memory_space<hbm>> -> memref<20000x128xf32, #tpu.memory_space<hbm>>
        tpu.enqueue_indirect_dma source(%dma_start3A_388 : memref<20000x128xf32, #tpu.memory_space<hbm>>) target(%arg18 : memref<64x128xf32, #tpu.memory_space<vmem>>) offsets(%dma_start3A_385 : memref<64xi32, #tpu.memory_space<vmem>>) semaphore(%arg22 : memref<!tpu.dma_semaphore, #tpu.memory_space<semaphore_mem>>)
        %dma_wait3A_389 = arith.constant 5 : i32
        %dma_wait3A_390 = arith.constant 0 : i32
        %dma_wait3A_391 = tpu.memref_slice %arg14[%dma_wait3A_389, %dma_wait3A_390] : memref<8x64xi32, #tpu.memory_space<vmem>> -> memref<1x64xi32, #tpu.memory_space<vmem>>
        %dma_wait3A_392 = tpu.memref_squeeze %dma_wait3A_391 : memref<1x64xi32, #tpu.memory_space<vmem>> -> memref<64xi32, #tpu.memory_space<vmem>>
        %dma_wait3A_393 = arith.constant 0 : i32
        %dma_wait3A_394 = arith.constant 0 : i32
        %dma_wait3A_395 = tpu.memref_slice %arg2[%dma_wait3A_393, %dma_wait3A_394] : memref<20000x128xf32, #tpu.memory_space<hbm>> -> memref<20000x128xf32, #tpu.memory_space<hbm>>
        tpu.wait_indirect_dma semaphore(%arg22 : memref<!tpu.dma_semaphore, #tpu.memory_space<semaphore_mem>>) src(%dma_wait3A_395 : memref<20000x128xf32, #tpu.memory_space<hbm>>) dst(%arg18 : memref<64x128xf32, #tpu.memory_space<vmem>>)
        %dma_start3A_396 = arith.constant 5 : i32
        %dma_start3A_397 = arith.constant 0 : i32
        %dma_start3A_398 = tpu.memref_slice %arg13[%dma_start3A_396, %dma_start3A_397] : memref<8x64xi32, #tpu.memory_space<vmem>> -> memref<1x64xi32, #tpu.memory_space<vmem>>
        %dma_start3A_399 = tpu.memref_squeeze %dma_start3A_398 : memref<1x64xi32, #tpu.memory_space<vmem>> -> memref<64xi32, #tpu.memory_space<vmem>>
        %dma_start3A_400 = arith.constant 0 : i32
        %dma_start3A_401 = arith.constant 0 : i32
        %dma_start3A_402 = tpu.memref_slice %arg11[%dma_start3A_400, %dma_start3A_401] : memref<10112x128xf32, #tpu.memory_space<vmem_shared>> -> memref<10112x128xf32, #tpu.memory_space<vmem_shared>>
        tpu.enqueue_indirect_dma source(%arg18 : memref<64x128xf32, #tpu.memory_space<vmem>>) target(%dma_start3A_402 : memref<10112x128xf32, #tpu.memory_space<vmem_shared>>) offsets(%dma_start3A_399 : memref<64xi32, #tpu.memory_space<vmem>>) semaphore(%arg24 : memref<!tpu.dma_semaphore, #tpu.memory_space<semaphore_mem>>) {add = true}
        %dma_wait3A_403 = arith.constant 4 : i32
        %dma_wait3A_404 = arith.constant 0 : i32
        %dma_wait3A_405 = tpu.memref_slice %arg13[%dma_wait3A_403, %dma_wait3A_404] : memref<8x64xi32, #tpu.memory_space<vmem>> -> memref<1x64xi32, #tpu.memory_space<vmem>>
        %dma_wait3A_406 = tpu.memref_squeeze %dma_wait3A_405 : memref<1x64xi32, #tpu.memory_space<vmem>> -> memref<64xi32, #tpu.memory_space<vmem>>
        %dma_wait3A_407 = arith.constant 0 : i32
        %dma_wait3A_408 = arith.constant 0 : i32
        %dma_wait3A_409 = tpu.memref_slice %arg11[%dma_wait3A_407, %dma_wait3A_408] : memref<10112x128xf32, #tpu.memory_space<vmem_shared>> -> memref<10112x128xf32, #tpu.memory_space<vmem_shared>>
        tpu.wait_indirect_dma semaphore(%arg23 : memref<!tpu.dma_semaphore, #tpu.memory_space<semaphore_mem>>) src(%arg17 : memref<64x128xf32, #tpu.memory_space<vmem>>) dst(%dma_wait3A_409 : memref<10112x128xf32, #tpu.memory_space<vmem_shared>>)
        %dma_start3A_410 = arith.constant 6 : i32
        %dma_start3A_411 = arith.constant 0 : i32
        %dma_start3A_412 = tpu.memref_slice %arg14[%dma_start3A_410, %dma_start3A_411] : memref<8x64xi32, #tpu.memory_space<vmem>> -> memref<1x64xi32, #tpu.memory_space<vmem>>
        %dma_start3A_413 = tpu.memref_squeeze %dma_start3A_412 : memref<1x64xi32, #tpu.memory_space<vmem>> -> memref<64xi32, #tpu.memory_space<vmem>>
        %dma_start3A_414 = arith.constant 0 : i32
        %dma_start3A_415 = arith.constant 0 : i32
        %dma_start3A_416 = tpu.memref_slice %arg2[%dma_start3A_414, %dma_start3A_415] : memref<20000x128xf32, #tpu.memory_space<hbm>> -> memref<20000x128xf32, #tpu.memory_space<hbm>>
        tpu.enqueue_indirect_dma source(%dma_start3A_416 : memref<20000x128xf32, #tpu.memory_space<hbm>>) target(%arg17 : memref<64x128xf32, #tpu.memory_space<vmem>>) offsets(%dma_start3A_413 : memref<64xi32, #tpu.memory_space<vmem>>) semaphore(%arg21 : memref<!tpu.dma_semaphore, #tpu.memory_space<semaphore_mem>>)
        %dma_wait3A_417 = arith.constant 6 : i32
        %dma_wait3A_418 = arith.constant 0 : i32
        %dma_wait3A_419 = tpu.memref_slice %arg14[%dma_wait3A_417, %dma_wait3A_418] : memref<8x64xi32, #tpu.memory_space<vmem>> -> memref<1x64xi32, #tpu.memory_space<vmem>>
        %dma_wait3A_420 = tpu.memref_squeeze %dma_wait3A_419 : memref<1x64xi32, #tpu.memory_space<vmem>> -> memref<64xi32, #tpu.memory_space<vmem>>
        %dma_wait3A_421 = arith.constant 0 : i32
        %dma_wait3A_422 = arith.constant 0 : i32
        %dma_wait3A_423 = tpu.memref_slice %arg2[%dma_wait3A_421, %dma_wait3A_422] : memref<20000x128xf32, #tpu.memory_space<hbm>> -> memref<20000x128xf32, #tpu.memory_space<hbm>>
        tpu.wait_indirect_dma semaphore(%arg21 : memref<!tpu.dma_semaphore, #tpu.memory_space<semaphore_mem>>) src(%dma_wait3A_423 : memref<20000x128xf32, #tpu.memory_space<hbm>>) dst(%arg17 : memref<64x128xf32, #tpu.memory_space<vmem>>)
        %dma_start3A_424 = arith.constant 6 : i32
        %dma_start3A_425 = arith.constant 0 : i32
        %dma_start3A_426 = tpu.memref_slice %arg13[%dma_start3A_424, %dma_start3A_425] : memref<8x64xi32, #tpu.memory_space<vmem>> -> memref<1x64xi32, #tpu.memory_space<vmem>>
        %dma_start3A_427 = tpu.memref_squeeze %dma_start3A_426 : memref<1x64xi32, #tpu.memory_space<vmem>> -> memref<64xi32, #tpu.memory_space<vmem>>
        %dma_start3A_428 = arith.constant 0 : i32
        %dma_start3A_429 = arith.constant 0 : i32
        %dma_start3A_430 = tpu.memref_slice %arg11[%dma_start3A_428, %dma_start3A_429] : memref<10112x128xf32, #tpu.memory_space<vmem_shared>> -> memref<10112x128xf32, #tpu.memory_space<vmem_shared>>
        tpu.enqueue_indirect_dma source(%arg17 : memref<64x128xf32, #tpu.memory_space<vmem>>) target(%dma_start3A_430 : memref<10112x128xf32, #tpu.memory_space<vmem_shared>>) offsets(%dma_start3A_427 : memref<64xi32, #tpu.memory_space<vmem>>) semaphore(%arg23 : memref<!tpu.dma_semaphore, #tpu.memory_space<semaphore_mem>>) {add = true}
        %dma_wait3A_431 = arith.constant 5 : i32
        %dma_wait3A_432 = arith.constant 0 : i32
        %dma_wait3A_433 = tpu.memref_slice %arg13[%dma_wait3A_431, %dma_wait3A_432] : memref<8x64xi32, #tpu.memory_space<vmem>> -> memref<1x64xi32, #tpu.memory_space<vmem>>
        %dma_wait3A_434 = tpu.memref_squeeze %dma_wait3A_433 : memref<1x64xi32, #tpu.memory_space<vmem>> -> memref<64xi32, #tpu.memory_space<vmem>>
        %dma_wait3A_435 = arith.constant 0 : i32
        %dma_wait3A_436 = arith.constant 0 : i32
        %dma_wait3A_437 = tpu.memref_slice %arg11[%dma_wait3A_435, %dma_wait3A_436] : memref<10112x128xf32, #tpu.memory_space<vmem_shared>> -> memref<10112x128xf32, #tpu.memory_space<vmem_shared>>
        tpu.wait_indirect_dma semaphore(%arg24 : memref<!tpu.dma_semaphore, #tpu.memory_space<semaphore_mem>>) src(%arg18 : memref<64x128xf32, #tpu.memory_space<vmem>>) dst(%dma_wait3A_437 : memref<10112x128xf32, #tpu.memory_space<vmem_shared>>)
        %dma_start3A_438 = arith.constant 7 : i32
        %dma_start3A_439 = arith.constant 0 : i32
        %dma_start3A_440 = tpu.memref_slice %arg14[%dma_start3A_438, %dma_start3A_439] : memref<8x64xi32, #tpu.memory_space<vmem>> -> memref<1x64xi32, #tpu.memory_space<vmem>>
        %dma_start3A_441 = tpu.memref_squeeze %dma_start3A_440 : memref<1x64xi32, #tpu.memory_space<vmem>> -> memref<64xi32, #tpu.memory_space<vmem>>
        %dma_start3A_442 = arith.constant 0 : i32
        %dma_start3A_443 = arith.constant 0 : i32
        %dma_start3A_444 = tpu.memref_slice %arg2[%dma_start3A_442, %dma_start3A_443] : memref<20000x128xf32, #tpu.memory_space<hbm>> -> memref<20000x128xf32, #tpu.memory_space<hbm>>
        tpu.enqueue_indirect_dma source(%dma_start3A_444 : memref<20000x128xf32, #tpu.memory_space<hbm>>) target(%arg18 : memref<64x128xf32, #tpu.memory_space<vmem>>) offsets(%dma_start3A_441 : memref<64xi32, #tpu.memory_space<vmem>>) semaphore(%arg22 : memref<!tpu.dma_semaphore, #tpu.memory_space<semaphore_mem>>)
        %dma_wait3A_445 = arith.constant 7 : i32
        %dma_wait3A_446 = arith.constant 0 : i32
        %dma_wait3A_447 = tpu.memref_slice %arg14[%dma_wait3A_445, %dma_wait3A_446] : memref<8x64xi32, #tpu.memory_space<vmem>> -> memref<1x64xi32, #tpu.memory_space<vmem>>
        %dma_wait3A_448 = tpu.memref_squeeze %dma_wait3A_447 : memref<1x64xi32, #tpu.memory_space<vmem>> -> memref<64xi32, #tpu.memory_space<vmem>>
        %dma_wait3A_449 = arith.constant 0 : i32
        %dma_wait3A_450 = arith.constant 0 : i32
        %dma_wait3A_451 = tpu.memref_slice %arg2[%dma_wait3A_449, %dma_wait3A_450] : memref<20000x128xf32, #tpu.memory_space<hbm>> -> memref<20000x128xf32, #tpu.memory_space<hbm>>
        tpu.wait_indirect_dma semaphore(%arg22 : memref<!tpu.dma_semaphore, #tpu.memory_space<semaphore_mem>>) src(%dma_wait3A_451 : memref<20000x128xf32, #tpu.memory_space<hbm>>) dst(%arg18 : memref<64x128xf32, #tpu.memory_space<vmem>>)
        %dma_start3A_452 = arith.constant 7 : i32
        %dma_start3A_453 = arith.constant 0 : i32
        %dma_start3A_454 = tpu.memref_slice %arg13[%dma_start3A_452, %dma_start3A_453] : memref<8x64xi32, #tpu.memory_space<vmem>> -> memref<1x64xi32, #tpu.memory_space<vmem>>
        %dma_start3A_455 = tpu.memref_squeeze %dma_start3A_454 : memref<1x64xi32, #tpu.memory_space<vmem>> -> memref<64xi32, #tpu.memory_space<vmem>>
        %dma_start3A_456 = arith.constant 0 : i32
        %dma_start3A_457 = arith.constant 0 : i32
        %dma_start3A_458 = tpu.memref_slice %arg11[%dma_start3A_456, %dma_start3A_457] : memref<10112x128xf32, #tpu.memory_space<vmem_shared>> -> memref<10112x128xf32, #tpu.memory_space<vmem_shared>>
        tpu.enqueue_indirect_dma source(%arg18 : memref<64x128xf32, #tpu.memory_space<vmem>>) target(%dma_start3A_458 : memref<10112x128xf32, #tpu.memory_space<vmem_shared>>) offsets(%dma_start3A_455 : memref<64xi32, #tpu.memory_space<vmem>>) semaphore(%arg24 : memref<!tpu.dma_semaphore, #tpu.memory_space<semaphore_mem>>) {add = true}
        %dma_wait3A_459 = arith.constant 6 : i32
        %dma_wait3A_460 = arith.constant 0 : i32
        %dma_wait3A_461 = tpu.memref_slice %arg13[%dma_wait3A_459, %dma_wait3A_460] : memref<8x64xi32, #tpu.memory_space<vmem>> -> memref<1x64xi32, #tpu.memory_space<vmem>>
        %dma_wait3A_462 = tpu.memref_squeeze %dma_wait3A_461 : memref<1x64xi32, #tpu.memory_space<vmem>> -> memref<64xi32, #tpu.memory_space<vmem>>
        %dma_wait3A_463 = arith.constant 0 : i32
        %dma_wait3A_464 = arith.constant 0 : i32
        %dma_wait3A_465 = tpu.memref_slice %arg11[%dma_wait3A_463, %dma_wait3A_464] : memref<10112x128xf32, #tpu.memory_space<vmem_shared>> -> memref<10112x128xf32, #tpu.memory_space<vmem_shared>>
        tpu.wait_indirect_dma semaphore(%arg23 : memref<!tpu.dma_semaphore, #tpu.memory_space<semaphore_mem>>) src(%arg17 : memref<64x128xf32, #tpu.memory_space<vmem>>) dst(%dma_wait3A_465 : memref<10112x128xf32, #tpu.memory_space<vmem_shared>>)
        %dma_wait3A_466 = arith.constant 7 : i32
        %dma_wait3A_467 = arith.constant 0 : i32
        %dma_wait3A_468 = tpu.memref_slice %arg13[%dma_wait3A_466, %dma_wait3A_467] : memref<8x64xi32, #tpu.memory_space<vmem>> -> memref<1x64xi32, #tpu.memory_space<vmem>>
        %dma_wait3A_469 = tpu.memref_squeeze %dma_wait3A_468 : memref<1x64xi32, #tpu.memory_space<vmem>> -> memref<64xi32, #tpu.memory_space<vmem>>
        %dma_wait3A_470 = arith.constant 0 : i32
        %dma_wait3A_471 = arith.constant 0 : i32
        %dma_wait3A_472 = tpu.memref_slice %arg11[%dma_wait3A_470, %dma_wait3A_471] : memref<10112x128xf32, #tpu.memory_space<vmem_shared>> -> memref<10112x128xf32, #tpu.memory_space<vmem_shared>>
        tpu.wait_indirect_dma semaphore(%arg24 : memref<!tpu.dma_semaphore, #tpu.memory_space<semaphore_mem>>) src(%arg18 : memref<64x128xf32, #tpu.memory_space<vmem>>) dst(%dma_wait3A_472 : memref<10112x128xf32, #tpu.memory_space<vmem_shared>>)
      } else {
      }
    }
    %scan3A_162 = arith.constant 20 : i32
    %barrier3A_163 = arith.constant 0 : index
    tpu.barrier barrier_id(%barrier3A_163)
    %lt3A = arith.constant 15 : i32
    %lt3A_164 = arith.cmpi slt, %arg1, %lt3A : i32
    %convert_element_type3A = arith.extui %lt3A_164 : i1 to i32
    %cond3A = arith.constant 0 : i32
    %cond3A_165 = arith.cmpi ne, %convert_element_type3A, %cond3A : i32
    scf.if %cond3A_165 {
      "tpu.region"() ({
        %run_scoped3A = tpu.sem_alloc : memref<!tpu.dma_semaphore, #tpu.memory_space<semaphore_mem>>
        %dma_start3A_170 = arith.constant 0 : i32
        %dma_start3A_171 = tpu.memref_slice %arg9[%arg0, %mul3A_0, %dma_start3A_170] : memref<2x10000x128xf32, #tpu.memory_space<hbm>> -> memref<1x632x128xf32, #tpu.memory_space<hbm>>
        %dma_start3A_172 = tpu.memref_squeeze %dma_start3A_171 : memref<1x632x128xf32, #tpu.memory_space<hbm>> -> memref<632x128xf32, #tpu.memory_space<hbm>>
        %dma_start3A_173 = arith.constant 0 : i32
        %dma_start3A_174 = tpu.memref_slice %arg11[%mul3A_0, %dma_start3A_173] : memref<10112x128xf32, #tpu.memory_space<vmem_shared>> -> memref<632x128xf32, #tpu.memory_space<vmem_shared>>
        tpu.enqueue_dma source(%dma_start3A_174 : memref<632x128xf32, #tpu.memory_space<vmem_shared>>) target(%dma_start3A_172 : memref<632x128xf32, #tpu.memory_space<hbm>>) target_semaphore(%run_scoped3A : memref<!tpu.dma_semaphore, #tpu.memory_space<semaphore_mem>>)
        %dma_wait3A_175 = arith.constant 0 : i32
        %dma_wait3A_176 = tpu.memref_slice %arg9[%arg0, %mul3A_0, %dma_wait3A_175] : memref<2x10000x128xf32, #tpu.memory_space<hbm>> -> memref<1x632x128xf32, #tpu.memory_space<hbm>>
        %dma_wait3A_177 = tpu.memref_squeeze %dma_wait3A_176 : memref<1x632x128xf32, #tpu.memory_space<hbm>> -> memref<632x128xf32, #tpu.memory_space<hbm>>
        %dma_wait3A_178 = arith.constant 0 : i32
        %dma_wait3A_179 = tpu.memref_slice %arg11[%mul3A_0, %dma_wait3A_178] : memref<10112x128xf32, #tpu.memory_space<vmem_shared>> -> memref<632x128xf32, #tpu.memory_space<vmem_shared>>
        tpu.wait_dma2 semaphore(%run_scoped3A : memref<!tpu.dma_semaphore, #tpu.memory_space<semaphore_mem>>) src(%dma_wait3A_179 : memref<632x128xf32, #tpu.memory_space<vmem_shared>>) dst(%dma_wait3A_177 : memref<632x128xf32, #tpu.memory_space<hbm>>)
        tpu.yield
      }) : () -> ()
    } else {
    }
    %eq3A = arith.constant 15 : i32
    %eq3A_166 = arith.cmpi eq, %arg1, %eq3A : i32
    %convert_element_type3A_167 = arith.extui %eq3A_166 : i1 to i32
    %cond3A_168 = arith.constant 0 : i32
    %cond3A_169 = arith.cmpi ne, %convert_element_type3A_167, %cond3A_168 : i32
    scf.if %cond3A_169 {
      "tpu.region"() ({
        %run_scoped3A = tpu.sem_alloc : memref<!tpu.dma_semaphore, #tpu.memory_space<semaphore_mem>>
        %dma_start3A_170 = arith.constant 0 : i32
        %dma_start3A_171 = tpu.memref_slice %arg9[%arg0, %mul3A_0, %dma_start3A_170] : memref<2x10000x128xf32, #tpu.memory_space<hbm>> -> memref<1x520x128xf32, #tpu.memory_space<hbm>>
        %dma_start3A_172 = tpu.memref_squeeze %dma_start3A_171 : memref<1x520x128xf32, #tpu.memory_space<hbm>> -> memref<520x128xf32, #tpu.memory_space<hbm>>
        %dma_start3A_173 = arith.constant 0 : i32
        %dma_start3A_174 = tpu.memref_slice %arg11[%mul3A_0, %dma_start3A_173] : memref<10112x128xf32, #tpu.memory_space<vmem_shared>> -> memref<520x128xf32, #tpu.memory_space<vmem_shared>>
        tpu.enqueue_dma source(%dma_start3A_174 : memref<520x128xf32, #tpu.memory_space<vmem_shared>>) target(%dma_start3A_172 : memref<520x128xf32, #tpu.memory_space<hbm>>) target_semaphore(%run_scoped3A : memref<!tpu.dma_semaphore, #tpu.memory_space<semaphore_mem>>)
        %dma_wait3A_175 = arith.constant 0 : i32
        %dma_wait3A_176 = tpu.memref_slice %arg9[%arg0, %mul3A_0, %dma_wait3A_175] : memref<2x10000x128xf32, #tpu.memory_space<hbm>> -> memref<1x520x128xf32, #tpu.memory_space<hbm>>
        %dma_wait3A_177 = tpu.memref_squeeze %dma_wait3A_176 : memref<1x520x128xf32, #tpu.memory_space<hbm>> -> memref<520x128xf32, #tpu.memory_space<hbm>>
        %dma_wait3A_178 = arith.constant 0 : i32
        %dma_wait3A_179 = tpu.memref_slice %arg11[%mul3A_0, %dma_wait3A_178] : memref<10112x128xf32, #tpu.memory_space<vmem_shared>> -> memref<520x128xf32, #tpu.memory_space<vmem_shared>>
        tpu.wait_dma2 semaphore(%run_scoped3A : memref<!tpu.dma_semaphore, #tpu.memory_space<semaphore_mem>>) src(%dma_wait3A_179 : memref<520x128xf32, #tpu.memory_space<vmem_shared>>) dst(%dma_wait3A_177 : memref<520x128xf32, #tpu.memory_space<hbm>>)
        tpu.yield
      }) : () -> ()
    } else {
    }
    "tpu.region"() ({
      %run_scoped3A = tpu.sem_alloc : memref<!tpu.dma_semaphore, #tpu.memory_space<semaphore_mem>>
      %dma_start3A_170 = arith.constant 0 : i32
      %dma_start3A_171 = tpu.memref_slice %arg10[%arg0, %mul3A_66, %dma_start3A_170] : memref<2x1280x128xf32, #tpu.memory_space<hbm>> -> memref<1x80x128xf32, #tpu.memory_space<hbm>>
      %dma_start3A_172 = tpu.memref_squeeze %dma_start3A_171 : memref<1x80x128xf32, #tpu.memory_space<hbm>> -> memref<80x128xf32, #tpu.memory_space<hbm>>
      %dma_start3A_173 = arith.constant 0 : i32
      %dma_start3A_174 = tpu.memref_slice %arg12[%mul3A_66, %dma_start3A_173] : memref<1280x128xf32, #tpu.memory_space<vmem_shared>> -> memref<80x128xf32, #tpu.memory_space<vmem_shared>>
      tpu.enqueue_dma source(%dma_start3A_174 : memref<80x128xf32, #tpu.memory_space<vmem_shared>>) target(%dma_start3A_172 : memref<80x128xf32, #tpu.memory_space<hbm>>) target_semaphore(%run_scoped3A : memref<!tpu.dma_semaphore, #tpu.memory_space<semaphore_mem>>)
      %dma_wait3A_175 = arith.constant 0 : i32
      %dma_wait3A_176 = tpu.memref_slice %arg10[%arg0, %mul3A_66, %dma_wait3A_175] : memref<2x1280x128xf32, #tpu.memory_space<hbm>> -> memref<1x80x128xf32, #tpu.memory_space<hbm>>
      %dma_wait3A_177 = tpu.memref_squeeze %dma_wait3A_176 : memref<1x80x128xf32, #tpu.memory_space<hbm>> -> memref<80x128xf32, #tpu.memory_space<hbm>>
      %dma_wait3A_178 = arith.constant 0 : i32
      %dma_wait3A_179 = tpu.memref_slice %arg12[%mul3A_66, %dma_wait3A_178] : memref<1280x128xf32, #tpu.memory_space<vmem_shared>> -> memref<80x128xf32, #tpu.memory_space<vmem_shared>>
      tpu.wait_dma2 semaphore(%run_scoped3A : memref<!tpu.dma_semaphore, #tpu.memory_space<semaphore_mem>>) src(%dma_wait3A_179 : memref<80x128xf32, #tpu.memory_space<vmem_shared>>) dst(%dma_wait3A_177 : memref<80x128xf32, #tpu.memory_space<hbm>>)
      tpu.yield
    }) : () -> ()
    return
  }
}

module attributes {stable_mosaic.version = 14 : i64} {
  func.func @_tc_self_body(%arg0: i32, %arg1: memref<1000x256xf32, #tpu.memory_space<vmem>>, %arg2: memref<256x256xf32, #tpu.memory_space<vmem>>, %arg3: memref<1x256xf32, #tpu.memory_space<vmem>>, %arg4: memref<1000x256xf32, #tpu.memory_space<vmem>>) attributes {dimension_semantics = [#tpu.dimension_semantics<arbitrary>], iteration_bounds = array<i64: 10>, scalar_prefetch = 0 : i64, scratch_operands = 0 : i64, tpu.core_type = #tpu.core_type<tc>, window_params = [{transform_indices = @transform_0, window_bounds = array<i64: 1000, 256>}, {pipeline_mode = #tpu.pipeline_mode<synchronous>, transform_indices = @transform_1, window_bounds = array<i64: 256, 256>}, {pipeline_mode = #tpu.pipeline_mode<synchronous>, transform_indices = @transform_2, window_bounds = array<i64: 1, 256>}, {transform_indices = @transform_3, window_bounds = array<i64: 1000, 256>}]} {
    %get3A = arith.constant 0 : index
    %get3A_0 = arith.constant 0 : index
    %get3A_1 = vector.load %arg1[%get3A, %get3A_0] : memref<1000x256xf32, #tpu.memory_space<vmem>>, vector<1000x256xf32>
    %get3A_2 = arith.constant 0 : index
    %get3A_3 = arith.constant 0 : index
    %get3A_4 = vector.load %arg2[%get3A_2, %get3A_3] : memref<256x256xf32, #tpu.memory_space<vmem>>, vector<256x256xf32>
    %dot_general3A = arith.constant dense<0.000000e+00> : vector<1000x256xf32>
    %dot_general3A_5 = tpu.matmul %get3A_1, %get3A_4, %dot_general3A {dimension_numbers = #tpu.dot_dimension_numbers<[1], [0], [0], [1], [0, 0, 1, 1], [], []>, transpose_lhs_hint = false} : vector<1000x256xf32>, vector<256x256xf32>, vector<1000x256xf32> -> vector<1000x256xf32>
    %get3A_6 = arith.constant 0 : index
    %get3A_7 = arith.constant 0 : index
    %get3A_8 = vector.load %arg3[%get3A_6, %get3A_7] : memref<1x256xf32, #tpu.memory_space<vmem>>, vector<1x256xf32>
    %add3A = vector.broadcast %get3A_8 : vector<1x256xf32> to vector<1000x256xf32>
    %add3A_9 = arith.addf %dot_general3A_5, %add3A : vector<1000x256xf32>
    %swap3A = arith.constant 0 : index
    %swap3A_10 = arith.constant 0 : index
    %swap3A_11 = vector.load %arg4[%swap3A, %swap3A_10] : memref<1000x256xf32, #tpu.memory_space<vmem>>, vector<1000x256xf32>
    tpu.vector_store %arg4[%swap3A, %swap3A_10], %add3A_9 {strides = array<i32>} : memref<1000x256xf32, #tpu.memory_space<vmem>>, vector<1000x256xf32>,
    return
  }
  func.func @transform_0(%arg0: i32) -> (i32, i32) {
    %c0_i32 = arith.constant 0 : i32
    %c0_i32_0 = arith.constant 0 : i32
    return %arg0, %c0_i32 : i32, i32
  }
  func.func @transform_1(%arg0: i32) -> (i32, i32) {
    %c0_i32 = arith.constant 0 : i32
    %c0_i32_0 = arith.constant 0 : i32
    %c0_i32_1 = arith.constant 0 : i32
    return %c0_i32, %c0_i32_0 : i32, i32
  }
  func.func @transform_2(%arg0: i32) -> (i32, i32) {
    %c0_i32 = arith.constant 0 : i32
    %c0_i32_0 = arith.constant 0 : i32
    %c0_i32_1 = arith.constant 0 : i32
    return %c0_i32, %c0_i32_0 : i32, i32
  }
  func.func @transform_3(%arg0: i32) -> (i32, i32) {
    %c0_i32 = arith.constant 0 : i32
    %c0_i32_0 = arith.constant 0 : i32
    return %arg0, %c0_i32 : i32, i32
  }
}

module attributes {stable_mosaic.version = 14 : i64} {
  func.func @_tc_final_body(%arg0: i32, %arg1: memref<1000x256xf32, #tpu.memory_space<vmem>>, %arg2: memref<2x1000x128xf32, #tpu.memory_space<vmem>>, %arg3: memref<1000x8xf32, #tpu.memory_space<vmem>>, %arg4: memref<256x256xf32, #tpu.memory_space<vmem>>, %arg5: memref<1x256xf32, #tpu.memory_space<vmem>>, %arg6: memref<1000x256xf32, #tpu.memory_space<vmem>>) attributes {dimension_semantics = [#tpu.dimension_semantics<arbitrary>], iteration_bounds = array<i64: 10>, scalar_prefetch = 0 : i64, scratch_operands = 0 : i64, tpu.core_type = #tpu.core_type<tc>, window_params = [{transform_indices = @transform_0, window_bounds = array<i64: 1000, 256>}, {transform_indices = @transform_1, window_bounds = array<i64: 2, 1000, 128>}, {transform_indices = @transform_2, window_bounds = array<i64: 1000, 8>}, {pipeline_mode = #tpu.pipeline_mode<synchronous>, transform_indices = @transform_3, window_bounds = array<i64: 256, 256>}, {pipeline_mode = #tpu.pipeline_mode<synchronous>, transform_indices = @transform_4, window_bounds = array<i64: 1, 256>}, {transform_indices = @transform_5, window_bounds = array<i64: 1000, 256>}]} {
    %get3A = arith.constant 0 : index
    %get3A_0 = arith.constant 0 : index
    %get3A_1 = vector.load %arg3[%get3A, %get3A_0] : memref<1000x8xf32, #tpu.memory_space<vmem>>, vector<1000x1xf32>
    %max3A = arith.constant 1.000000e+00 : f32
    %max3A_2 = vector.broadcast %max3A : f32 to vector<1000x1xf32>
    %max3A_3 = arith.maximumf %get3A_1, %max3A_2 : vector<1000x1xf32>
    %div3A = arith.constant 1.000000e+00 : f32
    %div3A_4 = vector.broadcast %div3A : f32 to vector<1000x1xf32>
    %div3A_5 = arith.divf %div3A_4, %max3A_3 : vector<1000x1xf32>
    %get3A_6 = arith.constant 0 : index
    %get3A_7 = arith.constant 0 : index
    %get3A_8 = arith.constant 0 : index
    %get3A_9 = vector.load %arg2[%get3A_6, %get3A_7, %get3A_8] : memref<2x1000x128xf32, #tpu.memory_space<vmem>>, vector<1x1000x128xf32>
    %get3A_10 = vector.shape_cast %get3A_9 : vector<1x1000x128xf32> to vector<1000x128xf32>
    %mul3A = vector.broadcast %div3A_5 : vector<1000x1xf32> to vector<1000x128xf32>
    %mul3A_11 = arith.mulf %get3A_10, %mul3A : vector<1000x128xf32>
    %get3A_12 = arith.constant 1 : index
    %get3A_13 = arith.constant 0 : index
    %get3A_14 = arith.constant 0 : index
    %get3A_15 = vector.load %arg2[%get3A_12, %get3A_13, %get3A_14] : memref<2x1000x128xf32, #tpu.memory_space<vmem>>, vector<1x1000x128xf32>
    %get3A_16 = vector.shape_cast %get3A_15 : vector<1x1000x128xf32> to vector<1000x128xf32>
    %mul3A_17 = vector.broadcast %div3A_5 : vector<1000x1xf32> to vector<1000x128xf32>
    %mul3A_18 = arith.mulf %get3A_16, %mul3A_17 : vector<1000x128xf32>
    %get3A_19 = arith.constant 0 : index
    %get3A_20 = arith.constant 0 : index
    %get3A_21 = vector.load %arg4[%get3A_19, %get3A_20] : memref<256x256xf32, #tpu.memory_space<vmem>>, vector<128x256xf32>
    %dot_general3A = arith.constant dense<0.000000e+00> : vector<1000x256xf32>
    %dot_general3A_22 = tpu.matmul %mul3A_11, %get3A_21, %dot_general3A {dimension_numbers = #tpu.dot_dimension_numbers<[1], [0], [0], [1], [0, 0, 1, 1], [], []>, transpose_lhs_hint = false} : vector<1000x128xf32>, vector<128x256xf32>, vector<1000x256xf32> -> vector<1000x256xf32>
    %get3A_23 = arith.constant 128 : index
    %get3A_24 = arith.constant 0 : index
    %get3A_25 = vector.load %arg4[%get3A_23, %get3A_24] : memref<256x256xf32, #tpu.memory_space<vmem>>, vector<128x256xf32>
    %dot_general3A_26 = arith.constant dense<0.000000e+00> : vector<1000x256xf32>
    %dot_general3A_27 = tpu.matmul %mul3A_18, %get3A_25, %dot_general3A_26 {dimension_numbers = #tpu.dot_dimension_numbers<[1], [0], [0], [1], [0, 0, 1, 1], [], []>, transpose_lhs_hint = false} : vector<1000x128xf32>, vector<128x256xf32>, vector<1000x256xf32> -> vector<1000x256xf32>
    %add3A = arith.addf %dot_general3A_22, %dot_general3A_27 : vector<1000x256xf32>
    %gt3A = arith.constant 0.000000e+00 : f32
    %gt3A_28 = vector.broadcast %gt3A : f32 to vector<1000x1xf32>
    %gt3A_29 = arith.cmpf ogt, %get3A_1, %gt3A_28 : vector<1000x1xf32>
    %get3A_30 = arith.constant 0 : index
    %get3A_31 = arith.constant 0 : index
    %get3A_32 = vector.load %arg5[%get3A_30, %get3A_31] : memref<1x256xf32, #tpu.memory_space<vmem>>, vector<1x256xf32>
    %add3A_33 = vector.broadcast %get3A_32 : vector<1x256xf32> to vector<1000x256xf32>
    %add3A_34 = arith.addf %add3A, %add3A_33 : vector<1000x256xf32>
    %jit3A = arith.constant 0.000000e+00 : f32
    %broadcast_in_dim3A = vector.shape_cast %gt3A_29 : vector<1000x1xi1> to vector<1000x1xi1>
    %broadcast_in_dim3A_35 = vector.broadcast %broadcast_in_dim3A : vector<1000x1xi1> to vector<1000x256xi1>
    %broadcast_in_dim3A_36 = vector.broadcast %jit3A : f32 to vector<1000x256xf32>
    %select_n3A = arith.select %broadcast_in_dim3A_35, %add3A_34, %broadcast_in_dim3A_36 : vector<1000x256xi1>, vector<1000x256xf32>
    %get3A_37 = arith.constant 0 : index
    %get3A_38 = arith.constant 0 : index
    %get3A_39 = vector.load %arg1[%get3A_37, %get3A_38] : memref<1000x256xf32, #tpu.memory_space<vmem>>, vector<1000x256xf32>
    %add3A_40 = arith.addf %get3A_39, %select_n3A : vector<1000x256xf32>
    %max3A_41 = arith.constant 0.000000e+00 : f32
    %max3A_42 = vector.broadcast %max3A_41 : f32 to vector<1000x256xf32>
    %max3A_43 = arith.maximumf %add3A_40, %max3A_42 : vector<1000x256xf32>
    %swap3A = arith.constant 0 : index
    %swap3A_44 = arith.constant 0 : index
    %swap3A_45 = vector.load %arg6[%swap3A, %swap3A_44] : memref<1000x256xf32, #tpu.memory_space<vmem>>, vector<1000x256xf32>
    tpu.vector_store %arg6[%swap3A, %swap3A_44], %max3A_43 {strides = array<i32>} : memref<1000x256xf32, #tpu.memory_space<vmem>>, vector<1000x256xf32>,
    return
  }
  func.func @transform_0(%arg0: i32) -> (i32, i32) {
    %c0_i32 = arith.constant 0 : i32
    %c0_i32_0 = arith.constant 0 : i32
    return %arg0, %c0_i32 : i32, i32
  }
  func.func @transform_1(%arg0: i32) -> (i32, i32, i32) {
    %c0_i32 = arith.constant 0 : i32
    %c0_i32_0 = arith.constant 0 : i32
    %c0_i32_1 = arith.constant 0 : i32
    return %c0_i32, %arg0, %c0_i32_0 : i32, i32, i32
  }
  func.func @transform_2(%arg0: i32) -> (i32, i32) {
    %c0_i32 = arith.constant 0 : i32
    %c0_i32_0 = arith.constant 0 : i32
    return %arg0, %c0_i32 : i32, i32
  }
  func.func @transform_3(%arg0: i32) -> (i32, i32) {
    %c0_i32 = arith.constant 0 : i32
    %c0_i32_0 = arith.constant 0 : i32
    %c0_i32_1 = arith.constant 0 : i32
    return %c0_i32, %c0_i32_0 : i32, i32
  }
  func.func @transform_4(%arg0: i32) -> (i32, i32) {
    %c0_i32 = arith.constant 0 : i32
    %c0_i32_0 = arith.constant 0 : i32
    %c0_i32_1 = arith.constant 0 : i32
    return %c0_i32, %c0_i32_0 : i32, i32
  }
  func.func @transform_5(%arg0: i32) -> (i32, i32) {
    %c0_i32 = arith.constant 0 : i32
    %c0_i32_0 = arith.constant 0 : i32
    return %arg0, %c0_i32 : i32, i32
  }
}

</mosaic_0001>

<sc_bundles>
// kernel: kernel.5.cloned.1.call-start
scs
__scs_entry_jumppad:
0x0: {  	(pc) =	sbr.rel $0x88, $3  }
0x1: {  	(tag) =	ssettag $0x0;
	lr =	simm.s32 $0x1  }
0x2: {  	[smem:$0x3F9B] =	sst lr;
	_ =	strace $0xD0000000  }
0x3: {  	_ = 	snop  }
0x4: {  	_ = 	snop  }
0x5: {  	_ = 	snop  }
0x6: {  	_ = 	snop  }
0x7: {  	_ = 	snop  }
__scs_overlays_trampoline_lowered:
0x8: {  	[smem:$0x3FAA] =	sst s0  }
0x9: {  	[smem:$0x3FAB] =	sst s1  }
0xa: {  	[smem:$0x3FAC] =	sst s2  }
0xb: {  	[smem:$0x3FAD] =	sst s3  }
0xc: {  	[smem:$0x3FAE] =	sst s4  }
0xd: {  	[smem:$0x3FAF] =	sst s5  }
0xe: {  	[smem:$0x3FB0] =	sst s6  }
0xf: {  	[smem:$0x3FB1] =	sst s7  }
0x10: {  	[smem:$0x3FB2] =	sst s8  }
0x11: {  	[smem:$0x3FB3] =	sst s9;
	s0 =	simm.s32 @!p0 $0x0  }
0x12: {  	s1 =	sld [smem:$0x3F99];
	s0 =	simm.s32 @p0 $0x1  }
0x13: {  	[smem:$0x3FB4] =	sst s0;
	s0 =	simm.s32 @!p1 $0x0  }
0x14: {  	s2 =	sld [smem:$0x3F98];
	s0 =	simm.s32 @p1 $0x1  }
0x15: {  	[smem:$0x3FB5] =	sst s0;
	s0 =	simm.s32 @!p2 $0x0  }
0x16: {  	s3 =	sld [smem:$0x3FDB];
	s0 =	simm.s32 @p2 $0x1  }
0x17: {  	s4 =	simm.s32 $0x1BF5;
	[smem:$0x3FB7] =	sst s0  }
0x18: {  	s0 =	sld [smem:$0x3F9A];
	_ =	swait.ge [sflag:s4], $0x0  }
0x19: {  	s7 =	sld [smem:$0x3F9B]  }
0x1a: {  	s8 =	sadd.s32 $0xFFFFE003, lr  }
0x1b: {  	s9 =	sadd.s32 $0xFFFFFEF7, lr;
	s5 =	simm.s32 $0xFFFFFFFF;
	p2 =	slt.u32 s8, $0xFFFFF086  }
0x1c: {  	p1 =	slt.u32 s9, $0xF7A;
	s5 =	simm.s32 @!p2 $0x0  }
0x1d: {  	s5 =	simm.s32 @p1 $0x1;
	p0 =	seq.s32 s7, s2  }
0x1e: {  	s7 =	smul.u32 @!p0 $0xF7A, s2;
	p2 =	seq.s32 @!p0 s5, $0x0  }
0x1f: {  	s9 =	smul.u32 $0xF7A, s1;
	s8 =	simm.s32 @!p0 $0x1BF5;
	p2 =	por !p2, p0  }
0x20: {  	[sflag:s8] =	ssyncset.s32 @!p0 $0xFFFFF086;
	s6 =	sadd.s32 @!p0 s3, s7;
	s7 =	simm.s32 @!p0 $0x108  }
0x21: {  	s3 =	sadd.s32 s3, s9;
	s6 =	sadd.s32 @!p0 $0x88, s6;
	s7 =	simm.s32 @p2 $0x1082  }
0x22: {  	[simem:s7], [sflag:s8] =	dma.local @!p0 [hbm:s6], $0xF7A  }
0x23: {  	s9 =	sor.u32 $0xD0000000, s2;
	s6 =	simm.s32 $0x108;
	_ =	swait.ge @!p0 [sflag:s8], $0x0  }
0x24: {  	s3 =	sadd.s32 $0x88, s3;
	s6 =	simm.s32 @!p1 $0x1082;
	[sflag:s4] =	ssyncset.s32 $0xFFFFF086  }
0x25: {  	[simem:s6], [sflag:s4] =	dma.local [hbm:s3], $0xF7A  }
0x26: {  	[smem:$0x3F9B] =	sst s1;
	(tag) =	ssettag s2;
	_ =	strace s9  }
0x27: {  	s1 =	sld [smem:$0x3FAB]  }
0x28: {  	s2 =	sld [smem:$0x3FAC]  }
0x29: {  	s4 =	sld [smem:$0x3FAE]  }
0x2a: {  	p0 =	seq.s32 s5, $0x0;
	s5 =	sld [smem:$0x3FAF]  }
0x2b: {  	s6 =	sld [smem:$0x3FB0]  }
0x2c: {  	s7 =	sld [smem:$0x3FB1]  }
0x2d: {  	s3 =	simm.s32 $0x108;
	s8 =	sld [smem:$0x3FB2]  }
0x2e: {  	s3 =	simm.s32 @!p0 $0x1082;
	s9 =	sld [smem:$0x3FB3]  }
0x2f: {  	lr =	sadd.s32 s0, s3;
	s0 =	sld [smem:$0x3FAA]  }
0x30: {  	s3 =	sld [smem:$0x3FAD]  }
0x31: {  	[smem:$0x3FB6] =	sst s10  }
0x32: {  	s10 =	sld [smem:$0x3FB4];
	_ =	sdelay $0x3  }
0x33: {  	p0 =	seq.s32 s10, $0x1;
	s10 =	sld [smem:$0x3FB6];
	_ =	sdelay $0x3  }
0x34: {  	[smem:$0x3FB6] =	sst s10  }
0x35: {  	s10 =	sld [smem:$0x3FB5];
	_ =	sdelay $0x3  }
0x36: {  	p1 =	seq.s32 s10, $0x1;
	s10 =	sld [smem:$0x3FB6];
	_ =	sdelay $0x3  }
0x37: {  	[smem:$0x3FB6] =	sst s10  }
0x38: {  	s10 =	sld [smem:$0x3FB7]  }
0x39: {  	_ = 	snop;
	(pc) =	sbr.ind lr, $3  }
0x3a: {  	_ = 	snop  }
0x3b: {  	_ = 	snop  }
0x3c: {  	p2 =	seq.s32 s10, $0x1;
	s10 =	sld [smem:$0x3FB6]  }
0x3d: {  	_ =	shalt  }
0x3e: {  	_ =	shalt  }
0x3f: {  	_ =	shalt  }
0x40: {  	_ =	shalt  }
0x41: {  	_ =	shalt  }
0x42: {  	_ =	shalt  }
0x43: {  	_ =	shalt  }
0x44: {  	_ =	shalt  }
0x45: {  	_ =	shalt  }
0x46: {  	_ =	shalt  }
0x47: {  	_ =	shalt  }
0x48: {  	_ =	shalt  }
0x49: {  	_ =	shalt  }
0x4a: {  	_ =	shalt  }
0x4b: {  	_ =	shalt  }
0x4c: {  	_ =	shalt  }
0x4d: {  	_ =	shalt  }
0x4e: {  	_ =	shalt  }
0x4f: {  	_ =	shalt  }
0x50: {  	_ =	shalt  }
0x51: {  	_ =	shalt  }
0x52: {  	_ =	shalt  }
0x53: {  	_ =	shalt  }
0x54: {  	_ =	shalt  }
0x55: {  	_ =	shalt  }
0x56: {  	_ =	shalt  }
0x57: {  	_ =	shalt  }
0x58: {  	_ =	shalt  }
0x59: {  	_ =	shalt  }
0x5a: {  	_ =	shalt  }
0x5b: {  	_ =	shalt  }
0x5c: {  	_ =	shalt  }
0x5d: {  	_ =	shalt  }
0x5e: {  	_ =	shalt  }
0x5f: {  	_ =	shalt  }
0x60: {  	_ =	shalt  }
0x61: {  	_ =	shalt  }
0x62: {  	_ =	shalt  }
0x63: {  	_ =	shalt  }
0x64: {  	_ =	shalt  }
0x65: {  	_ =	shalt  }
0x66: {  	_ =	shalt  }
0x67: {  	_ =	shalt  }
0x68: {  	_ =	shalt  }
0x69: {  	_ =	shalt  }
0x6a: {  	_ =	shalt  }
0x6b: {  	_ =	shalt  }
0x6c: {  	_ =	shalt  }
0x6d: {  	_ =	shalt  }
0x6e: {  	_ =	shalt  }
0x6f: {  	_ =	shalt  }
0x70: {  	_ =	shalt  }
0x71: {  	_ =	shalt  }
0x72: {  	_ =	shalt  }
0x73: {  	_ =	shalt  }
0x74: {  	_ =	shalt  }
0x75: {  	_ =	shalt  }
0x76: {  	_ =	shalt  }
0x77: {  	_ =	shalt  }
0x78: {  	_ =	shalt  }
0x79: {  	_ =	shalt  }
0x7a: {  	_ =	shalt  }
0x7b: {  	_ =	shalt  }
0x7c: {  	_ =	shalt  }
0x7d: {  	_ =	shalt  }
0x7e: {  	_ =	shalt  }
0x7f: {  	_ =	shalt  }
0x80: {  	_ =	shalt  }
0x81: {  	_ =	shalt  }
0x82: {  	_ =	shalt  }
0x83: {  	_ =	shalt  }
0x84: {  	_ =	shalt  }
0x85: {  	_ =	shalt  }
0x86: {  	_ =	shalt  }
0x87: {  	_ =	shalt  }
.Lfunc_end0:
.L_simem_size_0:
called_computation_lowered:
.L_overlay_start_0:
0x88: {  	s2 =	sld [smem:$0x3FD9]  }
0x89: {  	s3 =	sld [smem:$0x3FFE];
	_ =	sdelay $0x1  }
0x8a: {  	s1 =	srdreg.scid  }
0x8b: {  	s0 =	sand.u32 $0x1, s1  }
0x8c: {  	s17 =	sshll.u32 s0, $0xA;
	s2 =	sadd.s32 s3, s2  }
0x8d: {  	s2 =	sadd.s32 s2, s17  }
0x8e: {  	[smem:$0x3FC2] =	sst s2  }
0x8f: {  	_ = 	snop  }
0x90: {  	s2 =	sld [smem:$0x3FD0];
	(tm) =	ssettm $0x1  }
0x91: {  	s18 =	sld [smem:$0x3FFB];
	_ =	sdelay $0x3  }
0x92: {  	_ =	strace s18  }
0x93: {  	s3 =	sld [smem:$0x3FFC];
	_ =	sdelay $0x3  }
0x94: {  	_ =	strace s3  }
0x95: {  	s3 =	sld [smem:$0x3FFD];
	_ =	sdelay $0x3  }
0x96: {  	_ =	strace s3  }
0x97: {  	_ =	strace $0x8FFFFFFF  }
0x98: {  	s19 =	sld [smem:$0x3FDB];
	_ =	sdelay $0x1  }
0x99: {  	s4 =	simm.s32 $_scs_section_size  }
0x9a: {  	s5 =	simm.s32 $_size__tile_overlayer_lowered;
	s6 =	simm.s32 $_tile_overlayer_lowered  }
0x9b: {  	s22 =	simm.s32 $0x1BFF;
	s21 =	sshll.u32 s6, $0x1;
	s3 =	sadd.s32 s4, s19  }
0x9c: {  	s7 =	simm.s32 $0x0;
	s20 =	sshll.u32 s5, $0x1;
	s5 =	sadd.s32 s21, s3  }
0x9d: {  	[timem:s7], [sflag:s22] =	dma.local [hbm:s5], s20  }
0x9e: {  	_ =	swait.ge [sflag:s22], s20  }
0x9f: {  	s4 =	ssub.s32 $0x0, s20;
	[sflag:s22] =	ssyncset.done $0x0  }
0xa0: {  	[sflag:s22] =	ssyncadd.s32 s4;
	_ =	sdelay $0x1  }
0xa1: {  	s23 =	simm.s32 $0x1B8B  }
0xa2: {  	_ =	swait.ge [sflag:s23], $0x1  }
0xa3: {  	[sflag:s23] =	ssyncset.done $0x0  }
0xa4: {  	s25 =	simm.s32 $0x1B8E;
	s24 =	sld [smem:$0x3FFE];
	[sflag:s23] =	ssyncadd.s32 $0xFFFFFFFF  }
0xa5: {  	s26 =	simm.s32 $execute0_lowered;
	[smem:$0x3FD2] =	sst s25  }
0xa6: {  	s5 =	sshll.u32 s26, $0x1;
	_ =	strace $0x80000046;
	[dreg:$0x1] =	wrdreg $0xFFFFFFFF  }
0xa7: {  	s28 =	simm.s32 $_size_execute0_lowered;
	s3 =	sadd.s32 s3, s5;
	[dreg:$0x0] =	wrdreg $0x0  }
0xa8: {  	s5 =	sshll.u32 s28, $0x1;
	[dreg:$0x2] =	wrdreg s3  }
0xa9: {  	[dreg:$0x3] =	wrdreg s5  }
0xaa: {  	[dreg:$0x4] =	wrdreg $0xC0  }
0xab: {  	_ =	task [dreg:s7], $0x5FFFF  }
0xac: {  	[dreg:$0x1] =	wrdreg $0xFFFFFFFF  }
0xad: {  	[dreg:$0x0] =	wrdreg $0x60  }
0xae: {  	[dreg:$0x2] =	wrdreg s2  }
0xaf: {  	[dreg:$0x3] =	wrdreg s24  }
0xb0: {  	[dreg:$0x4] =	wrdreg $0x0  }
0xb1: {  	[dreg:$0x5] =	wrdreg $0x13C000  }
0xb2: {  	[dreg:$0x6] =	wrdreg $0x9  }
0xb3: {  	_ =	task.clear_ibuf [dreg:s7], $0x7FFFF;
	_ =	strace $0x90000046  }
0xb4: {  	s29 =	simm.s32 $0x9;
	_ =	strace $0x80000048  }
0xb5: {  	_ =	swait.ge [sflag:s29], $0x1  }
0xb6: {  	[sflag:s29] =	ssyncadd.s32 $0xFFFFFFFF  }
0xb7: {  	_ =	strace $0x90000048  }
0xb8: {  	_ =	sfence  }
0xb9: {  	s30 =	sld [smem:$0x0];
	_ =	sdelay $0x2  }
0xba: {  	s31 =	sshll.u32 s1, $0xD;
	s1 =	sshrl.u32 s1, $0x2  }
0xbb: {  	s3 =	sand.u32 $0x4000, s31;
	s1 =	sadd.s32 s1, s30  }
0xbc: {  	s0 =	sor.u32 s3, s0;
	s1 =	sshll.u32 s1, $0x11  }
0xbd: {  	s0 =	sor.u32 s1, s0  }
0xbe: {  	s0 =	sadd.s32 $0x8F2B, s0  }
0xbf: {  	[sflag:s0] =	ssyncadd.remote.s32 $0x1  }
0xc0: {  	_ =	sfence.sel $0xFFFF  }
0xc1: {  	[dreg:$0x0] =	wrdreg $0xFFFFFFFF;
	(pc) =	sbr.abs _section_cstart, $3  }
0xc2: {  	[dreg:$0x1] =	wrdreg $0xFFFFFFFF  }
0xc3: {  	_ =	task.clear_ibuf [dreg:s7], $0x2FFFF;
	_ =	strace $0x9FFFFFFF  }
0xc4: {  	(tm) =	ssettm $0x7FFFFFFF  }
0xc5: {  	_ =	shalt  }
tec
execute0_lowered:
.L_overlay_start_1:
0x0: {  	(tag) =	ssettag $0x1  }
0x1: {  	s1 =	rddreg [dreg:$0x0]  }
0x2: {  	s0 =	rddreg [dreg:$0x1];
	s14 =	stileid.u32  }
0x3: {  	s3 =	rddreg [dreg:$0x2];
	s20 =	smul.u32 $0x5000, s14  }
0x4: {  	s2 =	srdreg.scid;
	s8 =	smul.u32 $0xA00, s14  }
0x5: {  	s4 =	rddreg [dreg:$0x3];
	s6 =	simm.s32 $0x0;
	s10 =	smul.u32 $0x2800, s14  }
0x6: {  	s30 =	simm.s32 $0x17400;
	s31 =	simm.s32 $0x16780;
	s11 =	smul.u32 $0x4F000, s14  }
0x7: {  	s5 =	sand.u32 $0x1, s2;
	[smem:$0x7FF] =	sst s6;
	s29 =	smul.u32 $0x13C00, s14  }
0x8: {  	s12 =	sadd.s32 $0x33800, s0;
	s21 =	sadd.s32 $0x3DC00, s0;
	s17 =	smul.u32 $0xA000, s14  }
0x9: {  	p0 =	seq.s32 s14, $0xF;
	s14 =	simm.s32 $0x1B400;
	s7 =	smul.u32 $0x50000, s5  }
0xa: {  	_ =	strace $0x80000047;
	s9 =	smul.u32 $0x28000, s5;
	[dreg:$0x5] =	wrdreg s12  }
0xb: {  	s22 =	ssub.s32 $0x2, s5;
	s26 =	smul.u32 $0x138800, s5;
	s12 =	simm.s32 $0x17000  }
0xc: {  	s8 =	sadd.s32 s8, s0;
	s11 =	sshrl.u32 s11, $0x2;
	s23 =	sshrl.u32 s22, $0x1  }
0xd: {  	s2 =	sadd.s32 s20, s7;
	s7 =	sadd.s32 $0x33400, s0;
	s20 =	sadd.s32 $0x1F400, s8  }
0xe: {  	s9 =	sadd.s32 s10, s9;
	s25 =	sadd.s32 s11, s3;
	[dreg:$0x13] =	wrdreg s20  }
0xf: {  	s10 =	sshrl.u32 s26, $0x3;
	s24 =	sadd.s32 $0x2000, s25;
	[dreg:$0x6] =	wrdreg s25  }
0x10: {  	s2 =	sshrl.u32 s2, $0x3;
	s11 =	sadd.s32 $0x4000, s25;
	[dreg:$0x7] =	wrdreg s24  }
0x11: {  	s9 =	sshrl.u32 s9, $0x3;
	s28 =	sadd.s32 $0x6000, s25;
	[dreg:$0x8] =	wrdreg s11  }
0x12: {  	s13 =	sadd.s32 $0x8000, s25;
	s16 =	sadd.s32 $0xA000, s25;
	[dreg:$0x9] =	wrdreg s28  }
0x13: {  	s15 =	sadd.s32 $0xC000, s25;
	s18 =	sadd.s32 $0xE000, s25;
	[dreg:$0xa] =	wrdreg s13  }
0x14: {  	s10 =	sadd.s32 s21, s10;
	s20 =	simm.s32 $0x1D400;
	[dreg:$0xb] =	wrdreg s16  }
0x15: {  	s2 =	sadd.s32 s2, s0;
	s0 =	sadd.s32 s9, s0;
	[dreg:$0xc] =	wrdreg s15  }
0x16: {  	s9 =	ssub.s32 s22, s23;
	[dreg:$0xd] =	wrdreg s18;
	s11 =	sadd.s32 s29, s26  }
0x17: {  	s13 =	sshrl.u32 s17, $0x2;
	s10 =	sadd.s32 $0x25080, s10;
	s23 =	sadd.s32 $0x29400, s8  }
0x18: {  	s26 =	sadd.s32 $0x10000, s25;
	s28 =	sadd.s32 $0x12000, s25;
	s16 =	simm.s32 $0xA  }
0x19: {  	s15 =	simm.s32 $0x1;
	s18 =	simm.s32 $0x5;
	[dreg:$0x10] =	wrdreg s10  }
0x1a: {  	s17 =	simm.s32 $0x4;
	s11 =	sshrl.u32 s11, $0x3;
	[dreg:$0x15] =	wrdreg s23  }
0x1b: {  	s22 =	sadd.s32 s13, s4;
	s0 =	sadd.s32 $0x33C00, s0;
	[dreg:$0x17] =	wrdreg s26  }
0x1c: {  	s19 =	smax.u32 s9, $0x1;
	s24 =	sadd.s32 $0x1400, s2;
	[dreg:$0x18] =	wrdreg s28  }
0x1d: {  	s2 =	simm.s32 $0x9;
	s10 =	simm.s32 $0x16800;
	[dreg:$0x11] =	wrdreg s0  }
0x1e: {  	s13 =	simm.s32 $0x40;
	s23 =	simm.s32 $0x3;
	[dreg:$0x12] =	wrdreg s19  }
.Ltmp0:
0x1f: {  	s26 =	simm.s32 $0x0;
	[dreg:$0x16] =	wrdreg s24;
	(pc) =	sbr.rel .LBB2_1-.Ltmp0, $4  }
0x20: {  	s11 =	sadd.s32 s21, s11;
	s21 =	sadd.s32 $0x15400, s8;
	[dreg:$0xe] =	wrdreg s22  }
0x21: {  	s29 =	sadd.s32 $0x2000, s22;
	s8 =	simm.s32 $0x16400;
	[dreg:$0xf] =	wrdreg s11  }
0x22: {  	s0 =	simm.s32 $0x19400;
	s24 =	simm.s32 $0x6;
	[dreg:$0x14] =	wrdreg s21  }
0x23: {  	[dreg:$0x19] =	wrdreg s29;
	s11 =	simm.s32 $0x16C00;
	s21 =	simm.s32 $0x2  }
.LBB2_6:
0x24: {  	[bflag:$0x0] =	sbarrier.arrive $0xFFFF  }
0x25: {  	s25 =	rddreg [dreg:$0x6]  }
0x26: {  	s16 =	simm.s32 @p0 $0x1FCA;
	s19 =	rddreg [dreg:$0x10];
	s9 =	sshrl.u32 @p0 s25, $0x3  }
0x27: {  	[hbm:s19], [sflag:s16] =	dma.local @p0 [spmem:s9], $0x2080  }
0x28: {  	s9 =	simm.s32 @p0 $0xA  }
0x29: {  	s22 =	stileid.u32;
	_ =	swait.ge @p0 [sflag:s9], $0x2080  }
0x2a: {  	s16 =	sshll.u32 @!p0 s22, $0x6;
	[sflag:s9] =	ssyncset.done @p0 $0x0;
	s19 =	rddreg [dreg:$0xf]  }
0x2b: {  	[sflag:s9] =	ssyncadd.s32 @p0 $0xFFFFDF80;
	s9 =	sor.u32 @!p0 $0x1C0A, s16;
	s16 =	sshrl.u32 @!p0 s25, $0x3  }
0x2c: {  	[hbm:s19], [sflag:s9] =	dma.local @!p0 [spmem:s16], $0x2780  }
0x2d: {  	s26 =	sshll.u32 s22, $0x6;
	s9 =	simm.s32 @!p0 $0xA  }
0x2e: {  	s28 =	sor.u32 $0x1C0A, s26;
	_ =	swait.ge @!p0 [sflag:s9], $0x2780  }
0x2f: {  	s16 =	simm.s32 $0xA;
	[sflag:s9] =	ssyncset.done @!p0 $0x0;
	s22 =	rddreg [dreg:$0xe]  }
0x30: {  	s26 =	rddreg [dreg:$0x11];
	[sflag:s9] =	ssyncadd.s32 @!p0 $0xFFFFD880;
	s29 =	sshrl.u32 s22, $0x3  }
0x31: {  	[hbm:s26], [sflag:s28] =	dma.local [spmem:s29], $0x500  }
0x32: {  	_ =	swait.ge [sflag:s16], $0x500  }
0x33: {  	s28 =	rddreg [dreg:$0x1a]  }
0x34: {  	s29 =	rddreg [dreg:$0x12];
	s26 =	sadd.s32 $0x1, s28  }
0x35: {  	p1 =	sne.s32 s26, s29  }
.Ltmp1:
0x36: {  	_ = 	snop;
	(pc) =	sbr.rel @!p1 .LBB2_7-.Ltmp1, $3  }
0x37: {  	_ =	sdelay $0x1  }
0x38: {  	[sflag:s16] =	ssyncset.done $0x0  }
0x39: {  	s19 =	stileid.u32;
	[sflag:s16] =	ssyncadd.s32 $0xFFFFFB00  }
.LBB2_1:
0x3a: {  	[dreg:$0x1a] =	wrdreg s26  }
0x3b: {  	s9 =	rddreg [dreg:$0x5]  }
0x3c: {  	[tilespmem:s30], [sflag:$0xA] =	stream.linear.gather [hbm4b:s9+s6], $0x2000, $0x38;
	[tilespmem:$0x1F400] =	vst v63  }
0x3d: {  	_ =	swait.ge [sflag:s16], $0x2000  }
0x3e: {  	[sflag:s16] =	ssyncset.done $0x0  }
0x3f: {  	[sflag:s16] =	ssyncadd.s32 $0xFFFFE000  }
0x40: {  	[spmem:s25] =	stream.linear.scatter [tilespmem:s30], [sflag:$0x9], $0x2000, $0x38;
	[tilespmem:$0x1F400] =	vst v63  }
0x41: {  	s16 =	rddreg [dreg:$0x7]  }
0x42: {  	[spmem:s16] =	stream.linear.scatter [tilespmem:s30], [sflag:$0x9], $0x2000, $0x38;
	[tilespmem:$0x1F400] =	vst v63  }
0x43: {  	s19 =	rddreg [dreg:$0x8]  }
0x44: {  	[spmem:s19] =	stream.linear.scatter [tilespmem:s30], [sflag:$0x9], $0x2000, $0x38;
	[tilespmem:$0x1F400] =	vst v63  }
0x45: {  	s25 =	rddreg [dreg:$0x9]  }
0x46: {  	[spmem:s25] =	stream.linear.scatter [tilespmem:s30], [sflag:$0x9], $0x2000, $0x38;
	[tilespmem:$0x1F400] =	vst v63  }
0x47: {  	s26 =	rddreg [dreg:$0xa]  }
0x48: {  	[spmem:s26] =	stream.linear.scatter [tilespmem:s30], [sflag:$0x9], $0x2000, $0x38;
	[tilespmem:$0x1F400] =	vst v63  }
0x49: {  	s29 =	rddreg [dreg:$0xb]  }
0x4a: {  	[spmem:s29] =	stream.linear.scatter [tilespmem:s30], [sflag:$0x9], $0x2000, $0x38;
	[tilespmem:$0x1F400] =	vst v63  }
0x4b: {  	s16 =	rddreg [dreg:$0xc]  }
0x4c: {  	[spmem:s16] =	stream.linear.scatter [tilespmem:s30], [sflag:$0x9], $0x2000, $0x38;
	[tilespmem:$0x1F400] =	vst v63  }
0x4d: {  	s19 =	rddreg [dreg:$0xd]  }
0x4e: {  	[spmem:s19] =	stream.linear.scatter [tilespmem:s30], [sflag:$0x9], $0x2000, $0x38;
	[tilespmem:$0x1F400] =	vst v63  }
0x4f: {  	s25 =	rddreg [dreg:$0x17]  }
0x50: {  	[spmem:s25] =	stream.linear.scatter [tilespmem:s30], [sflag:$0x9], $0x2000, $0x38;
	[tilespmem:$0x1F400] =	vst v63  }
0x51: {  	s26 =	rddreg [dreg:$0x18]  }
0x52: {  	[spmem:s26] =	stream.linear.scatter [tilespmem:s30], [sflag:$0x9], $0x1C00, $0x38;
	[tilespmem:$0x1F400] =	vst v63  }
0x53: {  	_ = 	snop  }
0x54: {  	[spmem:s22] =	stream.linear.scatter [tilespmem:s30], [sflag:$0x9], $0x2000, $0x38;
	[tilespmem:$0x1F400] =	vst v63  }
0x55: {  	s29 =	rddreg [dreg:$0x19]  }
0x56: {  	[spmem:s29] =	stream.linear.scatter [tilespmem:s30], [sflag:$0x9], $0x800, $0x38;
	[tilespmem:$0x1F400] =	vst v63  }
0x57: {  	_ =	swait.ge [sflag:s2], $0x2000  }
0x58: {  	[sflag:s2] =	ssyncset.done $0x0  }
0x59: {  	[sflag:s2] =	ssyncadd.s32 $0xFFFFE000  }
0x5a: {  	_ =	swait.ge [sflag:s2], $0x2000  }
0x5b: {  	[sflag:s2] =	ssyncset.done $0x0  }
0x5c: {  	[sflag:s2] =	ssyncadd.s32 $0xFFFFE000  }
0x5d: {  	_ =	swait.ge [sflag:s2], $0x2000  }
0x5e: {  	[sflag:s2] =	ssyncset.done $0x0  }
0x5f: {  	[sflag:s2] =	ssyncadd.s32 $0xFFFFE000  }
0x60: {  	_ =	swait.ge [sflag:s2], $0x2000  }
0x61: {  	[sflag:s2] =	ssyncset.done $0x0  }
0x62: {  	[sflag:s2] =	ssyncadd.s32 $0xFFFFE000  }
0x63: {  	_ =	swait.ge [sflag:s2], $0x2000  }
0x64: {  	[sflag:s2] =	ssyncset.done $0x0  }
0x65: {  	[sflag:s2] =	ssyncadd.s32 $0xFFFFE000  }
0x66: {  	_ =	swait.ge [sflag:s2], $0x2000  }
0x67: {  	[sflag:s2] =	ssyncset.done $0x0  }
0x68: {  	[sflag:s2] =	ssyncadd.s32 $0xFFFFE000  }
0x69: {  	_ =	swait.ge [sflag:s2], $0x2000  }
0x6a: {  	[sflag:s2] =	ssyncset.done $0x0  }
0x6b: {  	[sflag:s2] =	ssyncadd.s32 $0xFFFFE000  }
0x6c: {  	_ =	swait.ge [sflag:s2], $0x2000  }
0x6d: {  	[sflag:s2] =	ssyncset.done $0x0  }
0x6e: {  	[sflag:s2] =	ssyncadd.s32 $0xFFFFE000  }
0x6f: {  	_ =	swait.ge [sflag:s2], $0x2000  }
0x70: {  	[sflag:s2] =	ssyncset.done $0x0  }
0x71: {  	[sflag:s2] =	ssyncadd.s32 $0xFFFFE000  }
0x72: {  	_ =	swait.ge [sflag:s2], $0x1C00  }
0x73: {  	[sflag:s2] =	ssyncset.done $0x0  }
0x74: {  	[sflag:s2] =	ssyncadd.s32 $0xFFFFE400  }
0x75: {  	_ =	swait.ge [sflag:s2], $0x2000  }
0x76: {  	[sflag:s2] =	ssyncset.done $0x0  }
0x77: {  	[sflag:s2] =	ssyncadd.s32 $0xFFFFE000  }
0x78: {  	_ =	swait.ge [sflag:s2], $0x800  }
0x79: {  	[sflag:s2] =	ssyncset.done $0x0  }
0x7a: {  	[sflag:s2] =	ssyncadd.s32 $0xFFFFF800  }
.Ltmp2:
0x7b: {  	[bflag:$0x0] =	sbarrier.arrive $0xFFFF;
	(pc) =	sbr.rel .LBB2_2-.Ltmp2, $4  }
0x7c: {  	s28 =	rddreg [dreg:$0x16]  }
0x7d: {  	s25 =	rddreg [dreg:$0x15]  }
0x7e: {  	s9 =	rddreg [dreg:$0x14]  }
0x7f: {  	s16 =	simm.s32 $0x0;
	s19 =	rddreg [dreg:$0x13]  }
.LBB2_4:
0x80: {  	_ =	swait.ge [sflag:s15], $0x2000  }
0x81: {  	[sflag:s15] =	ssyncset.done $0x0  }
0x82: {  	[sflag:s15] =	ssyncadd.s32 $0xFFFFE000  }
0x83: {  	[spmem:s3] =	stream.indirect.scatter.add.f32 [tilespmem:s30], [sflag:$0x3], $0x80, s8, s13, $0xb8;
	[tilespmem:$0x1F400] =	vst v63  }
0x84: {  	s22 =	simm.s32 $0x16880  }
0x85: {  	[tilespmem:s0], [sflag:$0x2] =	stream.indirect.gather [hbm4b:s1+s13], $0x80, s22, s13, $0xb8;
	[tilespmem:$0x1F400] =	vst v63  }
0x86: {  	_ =	swait.ge [sflag:s21], $0x2000  }
0x87: {  	[sflag:s21] =	ssyncset.done $0x0  }
0x88: {  	s26 =	simm.s32 $0x16480;
	s22 =	simm.s32 $0x3;
	[sflag:s21] =	ssyncadd.s32 $0xFFFFE000  }
0x89: {  	[spmem:s3] =	stream.indirect.scatter.add.f32 [tilespmem:s0], [sflag:$0x4], $0x80, s26, s13, $0xb8;
	[tilespmem:$0x1F400] =	vst v63  }
0x8a: {  	_ =	swait.ge [sflag:s22], $0x2000  }
0x8b: {  	[sflag:s22] =	ssyncset.done $0x0  }
0x8c: {  	s26 =	simm.s32 $0x16900;
	[sflag:s22] =	ssyncadd.s32 $0xFFFFE000  }
0x8d: {  	[tilespmem:s30], [sflag:$0x1] =	stream.indirect.gather [hbm4b:s1+s13], $0x80, s26, s13, $0xb8;
	[tilespmem:$0x1F400] =	vst v63  }
0x8e: {  	_ =	swait.ge [sflag:s15], $0x2000  }
0x8f: {  	[sflag:s15] =	ssyncset.done $0x0  }
0x90: {  	s29 =	simm.s32 $0x16500;
	s26 =	simm.s32 $0x4;
	[sflag:s15] =	ssyncadd.s32 $0xFFFFE000  }
0x91: {  	[spmem:s3] =	stream.indirect.scatter.add.f32 [tilespmem:s30], [sflag:$0x3], $0x80, s29, s13, $0xb8;
	[tilespmem:$0x1F400] =	vst v63  }
0x92: {  	_ =	swait.ge [sflag:s26], $0x2000  }
0x93: {  	[sflag:s26] =	ssyncset.done $0x0  }
0x94: {  	s29 =	simm.s32 $0x16980;
	[sflag:s26] =	ssyncadd.s32 $0xFFFFE000  }
0x95: {  	[tilespmem:s0], [sflag:$0x2] =	stream.indirect.gather [hbm4b:s1+s13], $0x80, s29, s13, $0xb8;
	[tilespmem:$0x1F400] =	vst v63  }
0x96: {  	_ =	swait.ge [sflag:s21], $0x2000  }
0x97: {  	[sflag:s21] =	ssyncset.done $0x0  }
0x98: {  	s29 =	simm.s32 $0x16580;
	[sflag:s21] =	ssyncadd.s32 $0xFFFFE000  }
0x99: {  	[spmem:s3] =	stream.indirect.scatter.add.f32 [tilespmem:s0], [sflag:$0x4], $0x80, s29, s13, $0xb8;
	[tilespmem:$0x1F400] =	vst v63  }
0x9a: {  	_ =	swait.ge [sflag:s22], $0x2000  }
0x9b: {  	[sflag:s22] =	ssyncset.done $0x0  }
0x9c: {  	s29 =	simm.s32 $0x16A00;
	[sflag:s22] =	ssyncadd.s32 $0xFFFFE000  }
0x9d: {  	[tilespmem:s30], [sflag:$0x1] =	stream.indirect.gather [hbm4b:s1+s13], $0x80, s29, s13, $0xb8;
	[tilespmem:$0x1F400] =	vst v63  }
0x9e: {  	_ =	swait.ge [sflag:s15], $0x2000  }
0x9f: {  	[sflag:s15] =	ssyncset.done $0x0  }
0xa0: {  	s29 =	simm.s32 $0x16600;
	[sflag:s15] =	ssyncadd.s32 $0xFFFFE000  }
0xa1: {  	[spmem:s3] =	stream.indirect.scatter.add.f32 [tilespmem:s30], [sflag:$0x3], $0x80, s29, s13, $0xb8;
	[tilespmem:$0x1F400] =	vst v63  }
0xa2: {  	_ =	swait.ge [sflag:s26], $0x2000  }
0xa3: {  	[sflag:s26] =	ssyncset.done $0x0  }
0xa4: {  	s29 =	simm.s32 $0x16A80;
	[sflag:s26] =	ssyncadd.s32 $0xFFFFE000  }
0xa5: {  	[tilespmem:s0], [sflag:$0x2] =	stream.indirect.gather [hbm4b:s1+s13], $0x80, s29, s13, $0xb8;
	[tilespmem:$0x1F400] =	vst v63  }
0xa6: {  	_ =	swait.ge [sflag:s21], $0x2000  }
0xa7: {  	[sflag:s21] =	ssyncset.done $0x0  }
0xa8: {  	s29 =	simm.s32 $0x16680;
	[sflag:s21] =	ssyncadd.s32 $0xFFFFE000  }
0xa9: {  	[spmem:s3] =	stream.indirect.scatter.add.f32 [tilespmem:s0], [sflag:$0x4], $0x80, s29, s13, $0xb8;
	[tilespmem:$0x1F400] =	vst v63  }
0xaa: {  	_ =	swait.ge [sflag:s22], $0x2000  }
0xab: {  	[sflag:s22] =	ssyncset.done $0x0  }
0xac: {  	s29 =	simm.s32 $0x16B00;
	[sflag:s22] =	ssyncadd.s32 $0xFFFFE000  }
0xad: {  	[tilespmem:s30], [sflag:$0x1] =	stream.indirect.gather [hbm4b:s1+s13], $0x80, s29, s13, $0xb8;
	[tilespmem:$0x1F400] =	vst v63  }
0xae: {  	_ =	swait.ge [sflag:s15], $0x2000  }
0xaf: {  	[sflag:s15] =	ssyncset.done $0x0  }
0xb0: {  	s29 =	simm.s32 $0x16700;
	[sflag:s15] =	ssyncadd.s32 $0xFFFFE000  }
0xb1: {  	[spmem:s3] =	stream.indirect.scatter.add.f32 [tilespmem:s30], [sflag:$0x3], $0x80, s29, s13, $0xb8;
	[tilespmem:$0x1F400] =	vst v63  }
0xb2: {  	_ =	swait.ge [sflag:s26], $0x2000  }
0xb3: {  	[sflag:s26] =	ssyncset.done $0x0  }
0xb4: {  	s29 =	simm.s32 $0x16B80;
	[sflag:s26] =	ssyncadd.s32 $0xFFFFE000  }
0xb5: {  	[tilespmem:s0], [sflag:$0x2] =	stream.indirect.gather [hbm4b:s1+s13], $0x80, s29, s13, $0xb8;
	[tilespmem:$0x1F400] =	vst v63  }
0xb6: {  	_ =	swait.ge [sflag:s21], $0x2000  }
0xb7: {  	[sflag:s21] =	ssyncset.done $0x0  }
0xb8: {  	[sflag:s21] =	ssyncadd.s32 $0xFFFFE000  }
0xb9: {  	[spmem:s3] =	stream.indirect.scatter.add.f32 [tilespmem:s0], [sflag:$0x4], $0x80, s31, s13, $0xb8;
	[tilespmem:$0x1F400] =	vst v63  }
.LBB2_5:
0xba: {  	s16 =	sadd.s32 $0x1, s16  }
0xbb: {  	_ =	swait.ge [sflag:s22], $0x2000;
	p1 =	sne.s32 s16, $0x14  }
.Ltmp3:
0xbc: {  	[sflag:s22] =	ssyncset.done $0x0;
	(pc) =	sbr.rel @!p1 .LBB2_6-.Ltmp3, $4  }
0xbd: {  	[sflag:s22] =	ssyncadd.s32 $0xFFFFE000  }
0xbe: {  	_ =	swait.ge [sflag:s26], $0x2000  }
0xbf: {  	s19 =	sadd.s32 $0x80, s19;
	s9 =	sadd.s32 $0x80, s9;
	[sflag:s26] =	ssyncset.done $0x0  }
0xc0: {  	s25 =	sadd.s32 $0x80, s25;
	s28 =	sadd.s32 $0x80, s28;
	[sflag:s26] =	ssyncadd.s32 $0xFFFFE000  }
.LBB2_2:
0xc1: {  	[tilespmem:s8], [sflag:$0x9] =	stream.linear.gather [hbm4b:s25+s6], $0x400, $0x38;
	[tilespmem:$0x1F400] =	vst v63  }
0xc2: {  	_ = 	snop  }
0xc3: {  	[tilespmem:s10], [sflag:$0x9] =	stream.linear.gather [hbm4b:s28+s6], $0x400, $0x38;
	[tilespmem:$0x1F400] =	vst v63  }
0xc4: {  	_ = 	snop  }
0xc5: {  	[tilespmem:s11], [sflag:$0x9] =	stream.linear.gather [hbm4b:s9+s6], $0x400, $0x38;
	[tilespmem:$0x1F400] =	vst v63  }
0xc6: {  	_ = 	snop  }
0xc7: {  	[tilespmem:s12], [sflag:$0x9] =	stream.linear.gather [hbm4b:s19+s6], $0x400, $0x38;
	[tilespmem:$0x1F400] =	vst v63  }
0xc8: {  	_ =	swait.ge [sflag:s2], $0x400  }
0xc9: {  	[sflag:s2] =	ssyncset.done $0x0  }
0xca: {  	[sflag:s2] =	ssyncadd.s32 $0xFFFFFC00  }
0xcb: {  	_ =	swait.ge [sflag:s2], $0x400  }
0xcc: {  	[sflag:s2] =	ssyncset.done $0x0  }
0xcd: {  	[sflag:s2] =	ssyncadd.s32 $0xFFFFFC00  }
0xce: {  	s22 =	sand.u32 $0x1, s16;
	_ =	swait.ge [sflag:s2], $0x400  }
0xcf: {  	p1 =	sne.s32 s22, s5;
	[sflag:s2] =	ssyncset.done $0x0  }
.Ltmp4:
0xd0: {  	[sflag:s2] =	ssyncadd.s32 $0xFFFFFC00;
	(pc) =	sbr.rel @p1 .LBB2_4-.Ltmp4, $4  }
0xd1: {  	_ =	swait.ge [sflag:s2], $0x400  }
0xd2: {  	[sflag:s2] =	ssyncset.done $0x0  }
0xd3: {  	[sflag:s2] =	ssyncadd.s32 $0xFFFFFC00  }
0xd4: {  	[tilespmem:s30], [sflag:$0x1] =	stream.indirect.gather [hbm4b:s1+s13], $0x80, s10, s13, $0xb8;
	[tilespmem:$0x1F400] =	vst v63  }
0xd5: {  	[tilespmem:s14], [sflag:$0x5] =	stream.indirect.gather [hbm4b:s7+s13], $0x80, s11, s13, $0xb8;
	[tilespmem:$0x1F400] =	vst v63  }
0xd6: {  	_ =	swait.ge [sflag:s15], $0x2000  }
0xd7: {  	[sflag:s15] =	ssyncset.done $0x0  }
0xd8: {  	[sflag:s15] =	ssyncadd.s32 $0xFFFFE000  }
0xd9: {  	[spmem:s3] =	stream.indirect.scatter.add.f32 [tilespmem:s30], [sflag:$0x3], $0x80, s8, s13, $0xb8;
	[tilespmem:$0x1F400] =	vst v63  }
0xda: {  	s22 =	simm.s32 $0x16880  }
0xdb: {  	[tilespmem:s0], [sflag:$0x2] =	stream.indirect.gather [hbm4b:s1+s13], $0x80, s22, s13, $0xb8;
	[tilespmem:$0x1F400] =	vst v63  }
0xdc: {  	_ =	swait.ge [sflag:s18], $0x2000  }
0xdd: {  	[sflag:s18] =	ssyncset.done $0x0  }
0xde: {  	[sflag:s18] =	ssyncadd.s32 $0xFFFFE000  }
0xdf: {  	[spmem:s4] =	stream.indirect.scatter.add.f32 [tilespmem:s14], [sflag:$0x7], $0x80, s12, s13, $0xb8;
	[tilespmem:$0x1F400] =	vst v63  }
0xe0: {  	s29 =	simm.s32 $0x16C80  }
0xe1: {  	[tilespmem:s20], [sflag:$0x6] =	stream.indirect.gather [hbm4b:s7+s13], $0x80, s29, s13, $0xb8;
	[tilespmem:$0x1F400] =	vst v63  }
0xe2: {  	_ =	swait.ge [sflag:s21], $0x2000  }
0xe3: {  	[sflag:s21] =	ssyncset.done $0x0  }
0xe4: {  	s26 =	simm.s32 $0x16480;
	[sflag:s21] =	ssyncadd.s32 $0xFFFFE000  }
0xe5: {  	[spmem:s3] =	stream.indirect.scatter.add.f32 [tilespmem:s0], [sflag:$0x4], $0x80, s26, s13, $0xb8;
	[tilespmem:$0x1F400] =	vst v63  }
0xe6: {  	_ =	swait.ge [sflag:s23], $0x2000  }
0xe7: {  	[sflag:s23] =	ssyncset.done $0x0  }
0xe8: {  	s29 =	simm.s32 $0x16900;
	[sflag:s23] =	ssyncadd.s32 $0xFFFFE000  }
0xe9: {  	[tilespmem:s30], [sflag:$0x1] =	stream.indirect.gather [hbm4b:s1+s13], $0x80, s29, s13, $0xb8;
	[tilespmem:$0x1F400] =	vst v63  }
0xea: {  	_ =	swait.ge [sflag:s24], $0x2000  }
0xeb: {  	[sflag:s24] =	ssyncset.done $0x0  }
0xec: {  	s22 =	simm.s32 $0x7;
	s26 =	simm.s32 $0x17080;
	[sflag:s24] =	ssyncadd.s32 $0xFFFFE000  }
0xed: {  	[spmem:s4] =	stream.indirect.scatter.add.f32 [tilespmem:s20], [sflag:$0x8], $0x80, s26, s13, $0xb8;
	[tilespmem:$0x1F400] =	vst v63  }
0xee: {  	_ =	swait.ge [sflag:s22], $0x2000  }
0xef: {  	[sflag:s22] =	ssyncset.done $0x0  }
0xf0: {  	s26 =	simm.s32 $0x16D00;
	[sflag:s22] =	ssyncadd.s32 $0xFFFFE000  }
0xf1: {  	[tilespmem:s14], [sflag:$0x5] =	stream.indirect.gather [hbm4b:s7+s13], $0x80, s26, s13, $0xb8;
	[tilespmem:$0x1F400] =	vst v63  }
0xf2: {  	_ =	swait.ge [sflag:s15], $0x2000  }
0xf3: {  	[sflag:s15] =	ssyncset.done $0x0  }
0xf4: {  	s29 =	simm.s32 $0x16500;
	[sflag:s15] =	ssyncadd.s32 $0xFFFFE000  }
0xf5: {  	[spmem:s3] =	stream.indirect.scatter.add.f32 [tilespmem:s30], [sflag:$0x3], $0x80, s29, s13, $0xb8;
	[tilespmem:$0x1F400] =	vst v63  }
0xf6: {  	_ =	swait.ge [sflag:s17], $0x2000  }
0xf7: {  	[sflag:s17] =	ssyncset.done $0x0  }
0xf8: {  	s29 =	simm.s32 $0x16980;
	[sflag:s17] =	ssyncadd.s32 $0xFFFFE000  }
0xf9: {  	[tilespmem:s0], [sflag:$0x2] =	stream.indirect.gather [hbm4b:s1+s13], $0x80, s29, s13, $0xb8;
	[tilespmem:$0x1F400] =	vst v63  }
0xfa: {  	_ =	swait.ge [sflag:s18], $0x2000  }
0xfb: {  	[sflag:s18] =	ssyncset.done $0x0  }
0xfc: {  	s26 =	simm.s32 $0x8;
	s29 =	simm.s32 $0x17100;
	[sflag:s18] =	ssyncadd.s32 $0xFFFFE000  }
0xfd: {  	[spmem:s4] =	stream.indirect.scatter.add.f32 [tilespmem:s14], [sflag:$0x7], $0x80, s29, s13, $0xb8;
	[tilespmem:$0x1F400] =	vst v63  }
0xfe: {  	_ =	swait.ge [sflag:s26], $0x2000  }
0xff: {  	[sflag:s26] =	ssyncset.done $0x0  }
0x100: {  	s29 =	simm.s32 $0x16D80;
	[sflag:s26] =	ssyncadd.s32 $0xFFFFE000  }
0x101: {  	[tilespmem:s20], [sflag:$0x6] =	stream.indirect.gather [hbm4b:s7+s13], $0x80, s29, s13, $0xb8;
	[tilespmem:$0x1F400] =	vst v63  }
0x102: {  	_ =	swait.ge [sflag:s21], $0x2000  }
0x103: {  	[sflag:s21] =	ssyncset.done $0x0  }
0x104: {  	s29 =	simm.s32 $0x16580;
	[sflag:s21] =	ssyncadd.s32 $0xFFFFE000  }
0x105: {  	[spmem:s3] =	stream.indirect.scatter.add.f32 [tilespmem:s0], [sflag:$0x4], $0x80, s29, s13, $0xb8;
	[tilespmem:$0x1F400] =	vst v63  }
0x106: {  	_ =	swait.ge [sflag:s23], $0x2000  }
0x107: {  	[sflag:s23] =	ssyncset.done $0x0  }
0x108: {  	s29 =	simm.s32 $0x16A00;
	[sflag:s23] =	ssyncadd.s32 $0xFFFFE000  }
0x109: {  	[tilespmem:s30], [sflag:$0x1] =	stream.indirect.gather [hbm4b:s1+s13], $0x80, s29, s13, $0xb8;
	[tilespmem:$0x1F400] =	vst v63  }
0x10a: {  	_ =	swait.ge [sflag:s24], $0x2000  }
0x10b: {  	[sflag:s24] =	ssyncset.done $0x0  }
0x10c: {  	s29 =	simm.s32 $0x17180;
	[sflag:s24] =	ssyncadd.s32 $0xFFFFE000  }
0x10d: {  	[spmem:s4] =	stream.indirect.scatter.add.f32 [tilespmem:s20], [sflag:$0x8], $0x80, s29, s13, $0xb8;
	[tilespmem:$0x1F400] =	vst v63  }
0x10e: {  	_ =	swait.ge [sflag:s22], $0x2000  }
0x10f: {  	[sflag:s22] =	ssyncset.done $0x0  }
0x110: {  	s29 =	simm.s32 $0x16E00;
	[sflag:s22] =	ssyncadd.s32 $0xFFFFE000  }
0x111: {  	[tilespmem:s14], [sflag:$0x5] =	stream.indirect.gather [hbm4b:s7+s13], $0x80, s29, s13, $0xb8;
	[tilespmem:$0x1F400] =	vst v63  }
0x112: {  	_ =	swait.ge [sflag:s15], $0x2000  }
0x113: {  	[sflag:s15] =	ssyncset.done $0x0  }
0x114: {  	s29 =	simm.s32 $0x16600;
	[sflag:s15] =	ssyncadd.s32 $0xFFFFE000  }
0x115: {  	[spmem:s3] =	stream.indirect.scatter.add.f32 [tilespmem:s30], [sflag:$0x3], $0x80, s29, s13, $0xb8;
	[tilespmem:$0x1F400] =	vst v63  }
0x116: {  	_ =	swait.ge [sflag:s17], $0x2000  }
0x117: {  	[sflag:s17] =	ssyncset.done $0x0  }
0x118: {  	s29 =	simm.s32 $0x16A80;
	[sflag:s17] =	ssyncadd.s32 $0xFFFFE000  }
0x119: {  	[tilespmem:s0], [sflag:$0x2] =	stream.indirect.gather [hbm4b:s1+s13], $0x80, s29, s13, $0xb8;
	[tilespmem:$0x1F400] =	vst v63  }
0x11a: {  	_ =	swait.ge [sflag:s18], $0x2000  }
0x11b: {  	[sflag:s18] =	ssyncset.done $0x0  }
0x11c: {  	s29 =	simm.s32 $0x17200;
	[sflag:s18] =	ssyncadd.s32 $0xFFFFE000  }
0x11d: {  	[spmem:s4] =	stream.indirect.scatter.add.f32 [tilespmem:s14], [sflag:$0x7], $0x80, s29, s13, $0xb8;
	[tilespmem:$0x1F400] =	vst v63  }
0x11e: {  	_ =	swait.ge [sflag:s26], $0x2000  }
0x11f: {  	[sflag:s26] =	ssyncset.done $0x0  }
0x120: {  	s29 =	simm.s32 $0x16E80;
	[sflag:s26] =	ssyncadd.s32 $0xFFFFE000  }
0x121: {  	[tilespmem:s20], [sflag:$0x6] =	stream.indirect.gather [hbm4b:s7+s13], $0x80, s29, s13, $0xb8;
	[tilespmem:$0x1F400] =	vst v63  }
0x122: {  	_ =	swait.ge [sflag:s21], $0x2000  }
0x123: {  	[sflag:s21] =	ssyncset.done $0x0  }
0x124: {  	s29 =	simm.s32 $0x16680;
	[sflag:s21] =	ssyncadd.s32 $0xFFFFE000  }
0x125: {  	[spmem:s3] =	stream.indirect.scatter.add.f32 [tilespmem:s0], [sflag:$0x4], $0x80, s29, s13, $0xb8;
	[tilespmem:$0x1F400] =	vst v63  }
0x126: {  	_ =	swait.ge [sflag:s23], $0x2000  }
0x127: {  	[sflag:s23] =	ssyncset.done $0x0  }
0x128: {  	s29 =	simm.s32 $0x16B00;
	[sflag:s23] =	ssyncadd.s32 $0xFFFFE000  }
0x129: {  	[tilespmem:s30], [sflag:$0x1] =	stream.indirect.gather [hbm4b:s1+s13], $0x80, s29, s13, $0xb8;
	[tilespmem:$0x1F400] =	vst v63  }
0x12a: {  	_ =	swait.ge [sflag:s24], $0x2000  }
0x12b: {  	[sflag:s24] =	ssyncset.done $0x0  }
0x12c: {  	s29 =	simm.s32 $0x17280;
	[sflag:s24] =	ssyncadd.s32 $0xFFFFE000  }
0x12d: {  	[spmem:s4] =	stream.indirect.scatter.add.f32 [tilespmem:s20], [sflag:$0x8], $0x80, s29, s13, $0xb8;
	[tilespmem:$0x1F400] =	vst v63  }
0x12e: {  	_ =	swait.ge [sflag:s22], $0x2000  }
0x12f: {  	[sflag:s22] =	ssyncset.done $0x0  }
0x130: {  	s29 =	simm.s32 $0x16F00;
	[sflag:s22] =	ssyncadd.s32 $0xFFFFE000  }
0x131: {  	[tilespmem:s14], [sflag:$0x5] =	stream.indirect.gather [hbm4b:s7+s13], $0x80, s29, s13, $0xb8;
	[tilespmem:$0x1F400] =	vst v63  }
0x132: {  	_ =	swait.ge [sflag:s15], $0x2000  }
0x133: {  	[sflag:s15] =	ssyncset.done $0x0  }
0x134: {  	s29 =	simm.s32 $0x16700;
	[sflag:s15] =	ssyncadd.s32 $0xFFFFE000  }
0x135: {  	[spmem:s3] =	stream.indirect.scatter.add.f32 [tilespmem:s30], [sflag:$0x3], $0x80, s29, s13, $0xb8;
	[tilespmem:$0x1F400] =	vst v63  }
0x136: {  	_ =	swait.ge [sflag:s17], $0x2000  }
0x137: {  	[sflag:s17] =	ssyncset.done $0x0  }
0x138: {  	s29 =	simm.s32 $0x16B80;
	[sflag:s17] =	ssyncadd.s32 $0xFFFFE000  }
0x139: {  	[tilespmem:s0], [sflag:$0x2] =	stream.indirect.gather [hbm4b:s1+s13], $0x80, s29, s13, $0xb8;
	[tilespmem:$0x1F400] =	vst v63  }
0x13a: {  	_ =	swait.ge [sflag:s18], $0x2000  }
0x13b: {  	[sflag:s18] =	ssyncset.done $0x0  }
0x13c: {  	s29 =	simm.s32 $0x17300;
	[sflag:s18] =	ssyncadd.s32 $0xFFFFE000  }
0x13d: {  	[spmem:s4] =	stream.indirect.scatter.add.f32 [tilespmem:s14], [sflag:$0x7], $0x80, s29, s13, $0xb8;
	[tilespmem:$0x1F400] =	vst v63  }
0x13e: {  	_ =	swait.ge [sflag:s26], $0x2000  }
0x13f: {  	[sflag:s26] =	ssyncset.done $0x0  }
0x140: {  	s29 =	simm.s32 $0x16F80;
	[sflag:s26] =	ssyncadd.s32 $0xFFFFE000  }
0x141: {  	[tilespmem:s20], [sflag:$0x6] =	stream.indirect.gather [hbm4b:s7+s13], $0x80, s29, s13, $0xb8;
	[tilespmem:$0x1F400] =	vst v63  }
0x142: {  	_ =	swait.ge [sflag:s21], $0x2000  }
0x143: {  	[sflag:s21] =	ssyncset.done $0x0  }
0x144: {  	[sflag:s21] =	ssyncadd.s32 $0xFFFFE000  }
0x145: {  	[spmem:s3] =	stream.indirect.scatter.add.f32 [tilespmem:s0], [sflag:$0x4], $0x80, s31, s13, $0xb8;
	[tilespmem:$0x1F400] =	vst v63  }
0x146: {  	_ =	swait.ge [sflag:s24], $0x2000  }
0x147: {  	[sflag:s24] =	ssyncset.done $0x0  }
0x148: {  	s29 =	simm.s32 $0x17380;
	[sflag:s24] =	ssyncadd.s32 $0xFFFFE000  }
0x149: {  	[spmem:s4] =	stream.indirect.scatter.add.f32 [tilespmem:s20], [sflag:$0x8], $0x80, s29, s13, $0xb8;
	[tilespmem:$0x1F400] =	vst v63  }
0x14a: {  	_ =	swait.ge [sflag:s23], $0x2000  }
.Ltmp5:
0x14b: {  	[sflag:s23] =	ssyncset.done $0x0;
	(pc) =	sbr.rel .LBB2_5-.Ltmp5, $4  }
0x14c: {  	[sflag:s23] =	ssyncadd.s32 $0xFFFFE000  }
0x14d: {  	_ =	swait.ge [sflag:s17], $0x2000  }
0x14e: {  	[sflag:s17] =	ssyncset.done $0x0  }
0x14f: {  	[sflag:s17] =	ssyncadd.s32 $0xFFFFE000  }
.LBB2_7:
0x150: {  	_ =	sfence.sel $0x180000  }
0x151: {  	[bflag:$0x0] =	sbarrier.arrive $0xFFFF  }
0x152: {  	_ =	strace $0x90000047  }
0x153: {  	[bflag:$0x2] =	sbarrier.arrive $0xFFFF  }
0x154: {  	p0 =	sne.s32 s19, $0x0;
	s0 =	rddreg [dreg:$0x4]  }
0x155: {  	s0 =	sadd.s32 @!p0 $0x100000, s0  }
0x156: {  	[sflag:s0] =	ssyncadd.tile.s32 @!p0 $0x1;
	_ =	shalt  }
.Lfunc_end2:
_tile_overlayer_lowered:
.L_overlay_start_2:
0x157: {  	(tag) =	ssettag $0x2  }
0x158: {  	s0 =	rddreg [dreg:$0x0];
	s2 =	stileid.u32  }
0x159: {  	s1 =	rddreg [dreg:$0x1];
	p0 =	sne.s32 s2, $0x0  }
0x15a: {  	s3 =	rddreg [dreg:$0x2];
	[bflag:$0x3] =	sbarrier.arrive $0xFFFF;
	s2 =	simm.s32 @!p0 $0x1C0A  }
0x15b: {  	[timem:s3], [sflag:s2] =	dma.local @!p0 [hbm:s0], s1  }
0x15c: {  	s0 =	simm.s32 @!p0 $0xA  }
0x15d: {  	_ =	swait.ge @!p0 [sflag:s0], s1  }
0x15e: {  	s1 =	ssub.s32 @!p0 $0x0, s1;
	[sflag:s0] =	ssyncset.done @!p0 $0x0  }
0x15f: {  	[sflag:s0] =	ssyncadd.s32 @!p0 s1  }
0x160: {  	[bflag:$0x3] =	sbarrier.arrive $0xFFFF  }
0x161: {  	_ =	shalt  }

</sc_bundles>
